<compile_context>
chip_gen: v7x
topology: tpu7x:2x2x1
jax: 0.10.2.dev20260603
libtpu: 0.0.44.dev20260713+nightly
codegen_flags: <defaults>
</compile_context>

<pallas_src>
import jax
import jax.numpy as jnp
from jax import lax
from jax.experimental import pallas as pl
from jax.experimental.pallas import tpu as pltpu
from jax.experimental.pallas import tpu_sc as plsc

NUM_PRIM = 8192
DIM = 64
BATCH = 64
HW = 1024
NC, NS = 2, 16
NW = NC * NS
CHUNK = 128
B_A = 40
B_B = BATCH - B_A
CSLICE = NUM_PRIM // NS
LANES = 16
ROWS_PER_B = HW * DIM // 128


def _make_sc_kernel(nb):
    nch = nb * HW // (NW * CHUNK)

    def _sc_body(idx_g, table, emb_out, hist_out,
                 idx_v, rows_v, ones_v, zeros_v, hist_sh, gsem, ssem, hsem):
        c = lax.axis_index("c")
        s = lax.axis_index("s")
        wid = s * NC + c

        pltpu.sync_copy(idx_g.at[wid], idx_v)

        one = jnp.ones((LANES,), jnp.int32)
        zero = jnp.zeros((LANES,), jnp.int32)
        for i in range(CHUNK // LANES):
            ones_v[pl.ds(i * LANES, LANES)] = one
        for i in range(CSLICE // LANES):
            zeros_v[pl.ds(i * LANES, LANES)] = zero
        pltpu.sync_copy(zeros_v, hist_sh.at[pl.ds(s * CSLICE, CSLICE)])

        plsc.subcore_barrier()

        def hstep(j, carry):
            pltpu.async_copy(ones_v, hist_sh.at[idx_v.at[j]], hsem, add=True)
            return carry
        lax.fori_loop(0, nch, hstep, 0)

        def prime(k, carry):
            pltpu.async_copy(table.at[idx_v.at[k]], rows_v.at[k], gsem)
            return carry
        lax.fori_loop(0, nch, prime, 0)

        def gstep(k, carry):
            pltpu.make_async_copy(table.at[pl.ds(0, CHUNK)],
                                  rows_v.at[k], gsem).wait()
            pltpu.async_copy(rows_v.at[k], emb_out.at[wid * nch + k], ssem)
            return carry
        lax.fori_loop(0, nch, gstep, 0)

        def sdrain(k, carry):
            pltpu.make_async_copy(table.at[pl.ds(0, CHUNK)],
                                  rows_v.at[0], ssem).wait()
            return carry
        lax.fori_loop(0, nch, sdrain, 0)

        pltpu.make_async_copy(idx_g.at[0], idx_v, hsem).wait()

        plsc.subcore_barrier()

        sl = pl.ds(s * CSLICE, CSLICE)
        pltpu.sync_copy(hist_sh.at[sl], hist_out.at[c].at[sl])

    return pl.kernel(
        _sc_body,
        out_type=(
            jax.ShapeDtypeStruct((NW * nch, CHUNK, DIM), jnp.float32),
            jax.ShapeDtypeStruct((NC, NUM_PRIM), jnp.int32),
        ),
        mesh=plsc.VectorSubcoreMesh(
            core_axis_name="c", subcore_axis_name="s",
            num_cores=NC, num_subcores=NS,
        ),
        compiler_params=pltpu.CompilerParams(use_tc_tiling_on_sc=False),
        scratch_types=[
            pltpu.VMEM((nch, CHUNK), jnp.int32),
            pltpu.VMEM((nch, CHUNK, DIM), jnp.float32),
            pltpu.VMEM((CHUNK,), jnp.int32),
            pltpu.VMEM((CSLICE,), jnp.int32),
            pltpu.VMEM_SHARED((NUM_PRIM,), jnp.int32),
            pltpu.SemaphoreType.DMA,
            pltpu.SemaphoreType.DMA,
            pltpu.SemaphoreType.DMA,
        ],
    )


_sc_kernel_a = _make_sc_kernel(B_A)
_sc_kernel_b = _make_sc_kernel(B_B)

B_BLK = 8


def _transpose_block(emb_ref, out_ref):
    for bb in range(B_BLK):
        x = emb_ref[pl.ds(bb * ROWS_PER_B, ROWS_PER_B), :]
        out_ref[bb] = jnp.concatenate(
            [x[:, 0:DIM].T, x[:, DIM:2 * DIM].T], axis=1)


def _tc_body_a(emb_ref, out_ref):
    _transpose_block(emb_ref, out_ref)


def _tc_body_b(emb_ref, prev_ref, hist_a_ref, hist_b_ref, act_ref,
               out_ref, cnt_ref):
    del prev_ref
    _transpose_block(emb_ref, out_ref)

    @pl.when(pl.program_id(0) == 0)
    def _():
        cnt_ref[...] = (act_ref[...]
                        + hist_a_ref[0] + hist_a_ref[1]
                        + hist_b_ref[0] + hist_b_ref[1])


_tc_kernel_a = pl.pallas_call(
    _tc_body_a,
    grid=(B_A // B_BLK,),
    in_specs=[pl.BlockSpec((B_BLK * ROWS_PER_B, 128), lambda i: (i, 0))],
    out_specs=pl.BlockSpec((B_BLK, DIM, HW), lambda i: (i, 0, 0)),
    out_shape=jax.ShapeDtypeStruct((BATCH, DIM, HW), jnp.float32),
)

_TC_OFF = B_A // B_BLK

_tc_kernel_b = pl.pallas_call(
    _tc_body_b,
    grid=(B_B // B_BLK,),
    in_specs=[
        pl.BlockSpec((B_BLK * ROWS_PER_B, 128), lambda i: (i, 0)),
        pl.BlockSpec((1, DIM, 128), lambda i: (0, 0, 0)),
        pl.BlockSpec((NC, 64, 128), lambda i: (0, 0, 0)),
        pl.BlockSpec((NC, 64, 128), lambda i: (0, 0, 0)),
        pl.BlockSpec((64, 128), lambda i: (0, 0)),
    ],
    out_specs=[
        pl.BlockSpec((B_BLK, DIM, HW), lambda i: (i + _TC_OFF, 0, 0)),
        pl.BlockSpec((64, 128), lambda i: (0, 0)),
    ],
    out_shape=(
        jax.ShapeDtypeStruct((BATCH, DIM, HW), jnp.float32),
        jax.ShapeDtypeStruct((64, 128), jnp.int32),
    ),
    input_output_aliases={1: 0},
)


@jax.jit
def kernel(indices, primitives, activation_count):
    hh = jnp.arange(HW, dtype=jnp.int32)
    perm = (hh % 2) * (HW // 2) + hh // 2
    idx_perm = jnp.take(indices, perm, axis=1)
    nch_a = B_A * HW // (NW * CHUNK)
    nch_b = B_B * HW // (NW * CHUNK)
    idx_a = idx_perm[:B_A].reshape(NW, nch_a, CHUNK)
    idx_b = idx_perm[B_A:].reshape(NW, nch_b, CHUNK)

    emb_a, hist_a = _sc_kernel_a(idx_a, primitives)
    emb_b, hist_b = _sc_kernel_b(idx_b, primitives)

    part = _tc_kernel_a(emb_a.reshape(B_A * ROWS_PER_B, 128))
    out_t, cnt2d = _tc_kernel_b(
        emb_b.reshape(B_B * ROWS_PER_B, 128),
        part,
        hist_a.reshape(NC, 64, 128),
        hist_b.reshape(NC, 64, 128),
        activation_count.reshape(64, 128),
    )
    return out_t.transpose(0, 2, 1), cnt2d.reshape(NUM_PRIM)

# --- scband reference (transcript-rebuilt; emitter-appended) ---
"""Pipeline reference for scband-living-codebook-67972152426767 (READ-ONLY COPY).

The authoritative reference and input builder live on the scoring server;
editing this copy changes nothing except your own understanding.
"""

import jax, jax.numpy as jnp
import numpy as np

NUM_PRIMITIVES = 8192
DIM = 64
B = 64
HW = 1024

def setup_inputs(seed: int = 0) -> dict:
    key = jax.random.key(seed)
    k1, k2 = jax.random.split(key)
    indices = jax.random.randint(k1, (B, HW), 0, NUM_PRIMITIVES, dtype=jnp.int32)
    primitives = jax.random.normal(k2, (NUM_PRIMITIVES, DIM), dtype=jnp.float32) * 0.02
    activation_count = jnp.zeros((NUM_PRIMITIVES,), dtype=jnp.int32)
    return {"indices": indices, "primitives": primitives, "activation_count": activation_count}

def reference(indices, primitives, activation_count):
    # LivingCodebook.lookup: embedding gather + activation tracking.
    # The torch version increments activation_count with a Python loop over
    # indices.flatten().tolist(); that is mathematically a scatter-add, which
    # we express as bincount (all generated indices are in-range).
    embeddings = jnp.take(primitives, indices, axis=0)  # [B, HW, DIM] gather
    counts_delta = jnp.bincount(indices.reshape(-1), length=NUM_PRIMITIVES)
    new_activation_count = activation_count + counts_delta.astype(activation_count.dtype)
    return embeddings, new_activation_count

if __name__ == "__main__":
    import jax
    _d = setup_inputs()
    print(jax.jit(kernel)(*tuple(_d.values())))

</pallas_src>

<mosaic_0001>
#map = affine_map<(d0, d1) -> (0, 0, 0)>
#map1 = affine_map<(d0, d1) -> (0, 0)>
module attributes {stable_mosaic.version = 14 : i64} {
  func.func @_sc_body(%arg0: i32, %arg1: i32, %arg2: memref<32x10x128xi32, #tpu.memory_space<hbm>>, %arg3: memref<8192x64xf32, #tpu.memory_space<hbm>>, %arg4: memref<320x128x64xf32, #tpu.memory_space<hbm>>, %arg5: memref<2x8192xi32, #tpu.memory_space<hbm>>, %arg6: memref<10x128xi32, #tpu.memory_space<vmem>>, %arg7: memref<10x128x64xf32, #tpu.memory_space<vmem>>, %arg8: memref<128xi32, #tpu.memory_space<vmem>>, %arg9: memref<512xi32, #tpu.memory_space<vmem>>, %arg10: memref<8192xi32, #tpu.memory_space<vmem_shared>>, %arg11: memref<!tpu.dma_semaphore, #tpu.memory_space<semaphore_mem>>, %arg12: memref<!tpu.dma_semaphore, #tpu.memory_space<semaphore_mem>>, %arg13: memref<!tpu.dma_semaphore, #tpu.memory_space<semaphore_mem>>) attributes {dimension_semantics = [#tpu.dimension_semantics<core_parallel>, #tpu.dimension_semantics<subcore_parallel>], iteration_bounds = array<i64: 2, 16>, scalar_prefetch = 0 : i64, scratch_operands = 8 : i64, tpu.core_type = #tpu.core_type<sc_vector_subcore>, window_params = [{transform_indices = #map}, {transform_indices = #map1}, {transform_indices = #map}, {transform_indices = #map1}]} {
    %mul3A = arith.constant 2 : i32
    %mul3A_0 = arith.muli %arg1, %mul3A : i32
    %add3A = arith.addi %mul3A_0, %arg0 : i32
    "tpu.region"() ({
      %run_scoped3A = tpu.sem_alloc : memref<!tpu.dma_semaphore, #tpu.memory_space<semaphore_mem>>
      %dma_start3A = arith.constant 0 : i32
      %dma_start3A_199 = arith.constant 0 : i32
      %dma_start3A_200 = tpu.memref_slice %arg2[%add3A, %dma_start3A, %dma_start3A_199] : memref<32x10x128xi32, #tpu.memory_space<hbm>> -> memref<1x10x128xi32, #tpu.memory_space<hbm>>
      %dma_start3A_201 = tpu.memref_squeeze %dma_start3A_200 : memref<1x10x128xi32, #tpu.memory_space<hbm>> -> memref<10x128xi32, #tpu.memory_space<hbm>>
      %dma_start3A_202 = arith.constant 0 : i32
      %dma_start3A_203 = arith.constant 0 : i32
      %dma_start3A_204 = tpu.memref_slice %arg2[%add3A, %dma_start3A_202, %dma_start3A_203] : memref<32x10x128xi32, #tpu.memory_space<hbm>> -> memref<1x10x128xi32, #tpu.memory_space<hbm>>
      %dma_start3A_205 = tpu.memref_squeeze %dma_start3A_204 : memref<1x10x128xi32, #tpu.memory_space<hbm>> -> memref<10x128xi32, #tpu.memory_space<hbm>>
      tpu.enqueue_dma source(%dma_start3A_205 : memref<10x128xi32, #tpu.memory_space<hbm>>) target(%arg6 : memref<10x128xi32, #tpu.memory_space<vmem>>) target_semaphore(%run_scoped3A : memref<!tpu.dma_semaphore, #tpu.memory_space<semaphore_mem>>)
      %dma_wait3A_206 = arith.constant 0 : i32
      %dma_wait3A_207 = arith.constant 0 : i32
      %dma_wait3A_208 = tpu.memref_slice %arg2[%add3A, %dma_wait3A_206, %dma_wait3A_207] : memref<32x10x128xi32, #tpu.memory_space<hbm>> -> memref<1x10x128xi32, #tpu.memory_space<hbm>>
      %dma_wait3A_209 = tpu.memref_squeeze %dma_wait3A_208 : memref<1x10x128xi32, #tpu.memory_space<hbm>> -> memref<10x128xi32, #tpu.memory_space<hbm>>
      %dma_wait3A_210 = arith.constant 0 : i32
      %dma_wait3A_211 = arith.constant 0 : i32
      %dma_wait3A_212 = tpu.memref_slice %arg2[%add3A, %dma_wait3A_210, %dma_wait3A_211] : memref<32x10x128xi32, #tpu.memory_space<hbm>> -> memref<1x10x128xi32, #tpu.memory_space<hbm>>
      %dma_wait3A_213 = tpu.memref_squeeze %dma_wait3A_212 : memref<1x10x128xi32, #tpu.memory_space<hbm>> -> memref<10x128xi32, #tpu.memory_space<hbm>>
      tpu.wait_dma2 semaphore(%run_scoped3A : memref<!tpu.dma_semaphore, #tpu.memory_space<semaphore_mem>>) src(%dma_wait3A_213 : memref<10x128xi32, #tpu.memory_space<hbm>>) dst(%arg6 : memref<10x128xi32, #tpu.memory_space<vmem>>)
      tpu.yield
    }) : () -> ()
    %broadcast_in_dim3A = arith.constant 1 : i32
    %broadcast_in_dim3A_1 = vector.broadcast %broadcast_in_dim3A : i32 to vector<16xi32>
    %broadcast_in_dim3A_2 = arith.constant 0 : i32
    %broadcast_in_dim3A_3 = vector.broadcast %broadcast_in_dim3A_2 : i32 to vector<16xi32>
    %swap3A = arith.constant 0 : index
    %swap3A_4 = tpu.vector_load %arg8[%swap3A] {strides = array<i32>} : memref<128xi32, #tpu.memory_space<vmem>>, vector<16xi32>,
    %swap3A_5 = vector.shape_cast %swap3A_4 : vector<16xi32> to vector<16xi32>
    %swap3A_6 = vector.shape_cast %broadcast_in_dim3A_1 : vector<16xi32> to vector<16xi32>
    tpu.vector_store %arg8[%swap3A], %swap3A_6 {strides = array<i32>} : memref<128xi32, #tpu.memory_space<vmem>>, vector<16xi32>,
    %swap3A_7 = arith.constant 16 : index
    %swap3A_8 = tpu.vector_load %arg8[%swap3A_7] {strides = array<i32>} : memref<128xi32, #tpu.memory_space<vmem>>, vector<16xi32>,
    %swap3A_9 = vector.shape_cast %swap3A_8 : vector<16xi32> to vector<16xi32>
    %swap3A_10 = vector.shape_cast %broadcast_in_dim3A_1 : vector<16xi32> to vector<16xi32>
    tpu.vector_store %arg8[%swap3A_7], %swap3A_10 {strides = array<i32>} : memref<128xi32, #tpu.memory_space<vmem>>, vector<16xi32>,
    %swap3A_11 = arith.constant 32 : index
    %swap3A_12 = tpu.vector_load %arg8[%swap3A_11] {strides = array<i32>} : memref<128xi32, #tpu.memory_space<vmem>>, vector<16xi32>,
    %swap3A_13 = vector.shape_cast %swap3A_12 : vector<16xi32> to vector<16xi32>
    %swap3A_14 = vector.shape_cast %broadcast_in_dim3A_1 : vector<16xi32> to vector<16xi32>
    tpu.vector_store %arg8[%swap3A_11], %swap3A_14 {strides = array<i32>} : memref<128xi32, #tpu.memory_space<vmem>>, vector<16xi32>,
    %swap3A_15 = arith.constant 48 : index
    %swap3A_16 = tpu.vector_load %arg8[%swap3A_15] {strides = array<i32>} : memref<128xi32, #tpu.memory_space<vmem>>, vector<16xi32>,
    %swap3A_17 = vector.shape_cast %swap3A_16 : vector<16xi32> to vector<16xi32>
    %swap3A_18 = vector.shape_cast %broadcast_in_dim3A_1 : vector<16xi32> to vector<16xi32>
    tpu.vector_store %arg8[%swap3A_15], %swap3A_18 {strides = array<i32>} : memref<128xi32, #tpu.memory_space<vmem>>, vector<16xi32>,
    %swap3A_19 = arith.constant 64 : index
    %swap3A_20 = tpu.vector_load %arg8[%swap3A_19] {strides = array<i32>} : memref<128xi32, #tpu.memory_space<vmem>>, vector<16xi32>,
    %swap3A_21 = vector.shape_cast %swap3A_20 : vector<16xi32> to vector<16xi32>
    %swap3A_22 = vector.shape_cast %broadcast_in_dim3A_1 : vector<16xi32> to vector<16xi32>
    tpu.vector_store %arg8[%swap3A_19], %swap3A_22 {strides = array<i32>} : memref<128xi32, #tpu.memory_space<vmem>>, vector<16xi32>,
    %swap3A_23 = arith.constant 80 : index
    %swap3A_24 = tpu.vector_load %arg8[%swap3A_23] {strides = array<i32>} : memref<128xi32, #tpu.memory_space<vmem>>, vector<16xi32>,
    %swap3A_25 = vector.shape_cast %swap3A_24 : vector<16xi32> to vector<16xi32>
    %swap3A_26 = vector.shape_cast %broadcast_in_dim3A_1 : vector<16xi32> to vector<16xi32>
    tpu.vector_store %arg8[%swap3A_23], %swap3A_26 {strides = array<i32>} : memref<128xi32, #tpu.memory_space<vmem>>, vector<16xi32>,
    %swap3A_27 = arith.constant 96 : index
    %swap3A_28 = tpu.vector_load %arg8[%swap3A_27] {strides = array<i32>} : memref<128xi32, #tpu.memory_space<vmem>>, vector<16xi32>,
    %swap3A_29 = vector.shape_cast %swap3A_28 : vector<16xi32> to vector<16xi32>
    %swap3A_30 = vector.shape_cast %broadcast_in_dim3A_1 : vector<16xi32> to vector<16xi32>
    tpu.vector_store %arg8[%swap3A_27], %swap3A_30 {strides = array<i32>} : memref<128xi32, #tpu.memory_space<vmem>>, vector<16xi32>,
    %swap3A_31 = arith.constant 112 : index
    %swap3A_32 = tpu.vector_load %arg8[%swap3A_31] {strides = array<i32>} : memref<128xi32, #tpu.memory_space<vmem>>, vector<16xi32>,
    %swap3A_33 = vector.shape_cast %swap3A_32 : vector<16xi32> to vector<16xi32>
    %swap3A_34 = vector.shape_cast %broadcast_in_dim3A_1 : vector<16xi32> to vector<16xi32>
    tpu.vector_store %arg8[%swap3A_31], %swap3A_34 {strides = array<i32>} : memref<128xi32, #tpu.memory_space<vmem>>, vector<16xi32>,
    %swap3A_35 = arith.constant 0 : index
    %swap3A_36 = tpu.vector_load %arg9[%swap3A_35] {strides = array<i32>} : memref<512xi32, #tpu.memory_space<vmem>>, vector<16xi32>,
    %swap3A_37 = vector.shape_cast %swap3A_36 : vector<16xi32> to vector<16xi32>
    %swap3A_38 = vector.shape_cast %broadcast_in_dim3A_3 : vector<16xi32> to vector<16xi32>
    tpu.vector_store %arg9[%swap3A_35], %swap3A_38 {strides = array<i32>} : memref<512xi32, #tpu.memory_space<vmem>>, vector<16xi32>,
    %swap3A_39 = arith.constant 16 : index
    %swap3A_40 = tpu.vector_load %arg9[%swap3A_39] {strides = array<i32>} : memref<512xi32, #tpu.memory_space<vmem>>, vector<16xi32>,
    %swap3A_41 = vector.shape_cast %swap3A_40 : vector<16xi32> to vector<16xi32>
    %swap3A_42 = vector.shape_cast %broadcast_in_dim3A_3 : vector<16xi32> to vector<16xi32>
    tpu.vector_store %arg9[%swap3A_39], %swap3A_42 {strides = array<i32>} : memref<512xi32, #tpu.memory_space<vmem>>, vector<16xi32>,
    %swap3A_43 = arith.constant 32 : index
    %swap3A_44 = tpu.vector_load %arg9[%swap3A_43] {strides = array<i32>} : memref<512xi32, #tpu.memory_space<vmem>>, vector<16xi32>,
    %swap3A_45 = vector.shape_cast %swap3A_44 : vector<16xi32> to vector<16xi32>
    %swap3A_46 = vector.shape_cast %broadcast_in_dim3A_3 : vector<16xi32> to vector<16xi32>
    tpu.vector_store %arg9[%swap3A_43], %swap3A_46 {strides = array<i32>} : memref<512xi32, #tpu.memory_space<vmem>>, vector<16xi32>,
    %swap3A_47 = arith.constant 48 : index
    %swap3A_48 = tpu.vector_load %arg9[%swap3A_47] {strides = array<i32>} : memref<512xi32, #tpu.memory_space<vmem>>, vector<16xi32>,
    %swap3A_49 = vector.shape_cast %swap3A_48 : vector<16xi32> to vector<16xi32>
    %swap3A_50 = vector.shape_cast %broadcast_in_dim3A_3 : vector<16xi32> to vector<16xi32>
    tpu.vector_store %arg9[%swap3A_47], %swap3A_50 {strides = array<i32>} : memref<512xi32, #tpu.memory_space<vmem>>, vector<16xi32>,
    %swap3A_51 = arith.constant 64 : index
    %swap3A_52 = tpu.vector_load %arg9[%swap3A_51] {strides = array<i32>} : memref<512xi32, #tpu.memory_space<vmem>>, vector<16xi32>,
    %swap3A_53 = vector.shape_cast %swap3A_52 : vector<16xi32> to vector<16xi32>
    %swap3A_54 = vector.shape_cast %broadcast_in_dim3A_3 : vector<16xi32> to vector<16xi32>
    tpu.vector_store %arg9[%swap3A_51], %swap3A_54 {strides = array<i32>} : memref<512xi32, #tpu.memory_space<vmem>>, vector<16xi32>,
    %swap3A_55 = arith.constant 80 : index
    %swap3A_56 = tpu.vector_load %arg9[%swap3A_55] {strides = array<i32>} : memref<512xi32, #tpu.memory_space<vmem>>, vector<16xi32>,
    %swap3A_57 = vector.shape_cast %swap3A_56 : vector<16xi32> to vector<16xi32>
    %swap3A_58 = vector.shape_cast %broadcast_in_dim3A_3 : vector<16xi32> to vector<16xi32>
    tpu.vector_store %arg9[%swap3A_55], %swap3A_58 {strides = array<i32>} : memref<512xi32, #tpu.memory_space<vmem>>, vector<16xi32>,
    %swap3A_59 = arith.constant 96 : index
    %swap3A_60 = tpu.vector_load %arg9[%swap3A_59] {strides = array<i32>} : memref<512xi32, #tpu.memory_space<vmem>>, vector<16xi32>,
    %swap3A_61 = vector.shape_cast %swap3A_60 : vector<16xi32> to vector<16xi32>
    %swap3A_62 = vector.shape_cast %broadcast_in_dim3A_3 : vector<16xi32> to vector<16xi32>
    tpu.vector_store %arg9[%swap3A_59], %swap3A_62 {strides = array<i32>} : memref<512xi32, #tpu.memory_space<vmem>>, vector<16xi32>,
    %swap3A_63 = arith.constant 112 : index
    %swap3A_64 = tpu.vector_load %arg9[%swap3A_63] {strides = array<i32>} : memref<512xi32, #tpu.memory_space<vmem>>, vector<16xi32>,
    %swap3A_65 = vector.shape_cast %swap3A_64 : vector<16xi32> to vector<16xi32>
    %swap3A_66 = vector.shape_cast %broadcast_in_dim3A_3 : vector<16xi32> to vector<16xi32>
    tpu.vector_store %arg9[%swap3A_63], %swap3A_66 {strides = array<i32>} : memref<512xi32, #tpu.memory_space<vmem>>, vector<16xi32>,
    %swap3A_67 = arith.constant 128 : index
    %swap3A_68 = tpu.vector_load %arg9[%swap3A_67] {strides = array<i32>} : memref<512xi32, #tpu.memory_space<vmem>>, vector<16xi32>,
    %swap3A_69 = vector.shape_cast %swap3A_68 : vector<16xi32> to vector<16xi32>
    %swap3A_70 = vector.shape_cast %broadcast_in_dim3A_3 : vector<16xi32> to vector<16xi32>
    tpu.vector_store %arg9[%swap3A_67], %swap3A_70 {strides = array<i32>} : memref<512xi32, #tpu.memory_space<vmem>>, vector<16xi32>,
    %swap3A_71 = arith.constant 144 : index
    %swap3A_72 = tpu.vector_load %arg9[%swap3A_71] {strides = array<i32>} : memref<512xi32, #tpu.memory_space<vmem>>, vector<16xi32>,
    %swap3A_73 = vector.shape_cast %swap3A_72 : vector<16xi32> to vector<16xi32>
    %swap3A_74 = vector.shape_cast %broadcast_in_dim3A_3 : vector<16xi32> to vector<16xi32>
    tpu.vector_store %arg9[%swap3A_71], %swap3A_74 {strides = array<i32>} : memref<512xi32, #tpu.memory_space<vmem>>, vector<16xi32>,
    %swap3A_75 = arith.constant 160 : index
    %swap3A_76 = tpu.vector_load %arg9[%swap3A_75] {strides = array<i32>} : memref<512xi32, #tpu.memory_space<vmem>>, vector<16xi32>,
    %swap3A_77 = vector.shape_cast %swap3A_76 : vector<16xi32> to vector<16xi32>
    %swap3A_78 = vector.shape_cast %broadcast_in_dim3A_3 : vector<16xi32> to vector<16xi32>
    tpu.vector_store %arg9[%swap3A_75], %swap3A_78 {strides = array<i32>} : memref<512xi32, #tpu.memory_space<vmem>>, vector<16xi32>,
    %swap3A_79 = arith.constant 176 : index
    %swap3A_80 = tpu.vector_load %arg9[%swap3A_79] {strides = array<i32>} : memref<512xi32, #tpu.memory_space<vmem>>, vector<16xi32>,
    %swap3A_81 = vector.shape_cast %swap3A_80 : vector<16xi32> to vector<16xi32>
    %swap3A_82 = vector.shape_cast %broadcast_in_dim3A_3 : vector<16xi32> to vector<16xi32>
    tpu.vector_store %arg9[%swap3A_79], %swap3A_82 {strides = array<i32>} : memref<512xi32, #tpu.memory_space<vmem>>, vector<16xi32>,
    %swap3A_83 = arith.constant 192 : index
    %swap3A_84 = tpu.vector_load %arg9[%swap3A_83] {strides = array<i32>} : memref<512xi32, #tpu.memory_space<vmem>>, vector<16xi32>,
    %swap3A_85 = vector.shape_cast %swap3A_84 : vector<16xi32> to vector<16xi32>
    %swap3A_86 = vector.shape_cast %broadcast_in_dim3A_3 : vector<16xi32> to vector<16xi32>
    tpu.vector_store %arg9[%swap3A_83], %swap3A_86 {strides = array<i32>} : memref<512xi32, #tpu.memory_space<vmem>>, vector<16xi32>,
    %swap3A_87 = arith.constant 208 : index
    %swap3A_88 = tpu.vector_load %arg9[%swap3A_87] {strides = array<i32>} : memref<512xi32, #tpu.memory_space<vmem>>, vector<16xi32>,
    %swap3A_89 = vector.shape_cast %swap3A_88 : vector<16xi32> to vector<16xi32>
    %swap3A_90 = vector.shape_cast %broadcast_in_dim3A_3 : vector<16xi32> to vector<16xi32>
    tpu.vector_store %arg9[%swap3A_87], %swap3A_90 {strides = array<i32>} : memref<512xi32, #tpu.memory_space<vmem>>, vector<16xi32>,
    %swap3A_91 = arith.constant 224 : index
    %swap3A_92 = tpu.vector_load %arg9[%swap3A_91] {strides = array<i32>} : memref<512xi32, #tpu.memory_space<vmem>>, vector<16xi32>,
    %swap3A_93 = vector.shape_cast %swap3A_92 : vector<16xi32> to vector<16xi32>
    %swap3A_94 = vector.shape_cast %broadcast_in_dim3A_3 : vector<16xi32> to vector<16xi32>
    tpu.vector_store %arg9[%swap3A_91], %swap3A_94 {strides = array<i32>} : memref<512xi32, #tpu.memory_space<vmem>>, vector<16xi32>,
    %swap3A_95 = arith.constant 240 : index
    %swap3A_96 = tpu.vector_load %arg9[%swap3A_95] {strides = array<i32>} : memref<512xi32, #tpu.memory_space<vmem>>, vector<16xi32>,
    %swap3A_97 = vector.shape_cast %swap3A_96 : vector<16xi32> to vector<16xi32>
    %swap3A_98 = vector.shape_cast %broadcast_in_dim3A_3 : vector<16xi32> to vector<16xi32>
    tpu.vector_store %arg9[%swap3A_95], %swap3A_98 {strides = array<i32>} : memref<512xi32, #tpu.memory_space<vmem>>, vector<16xi32>,
    %swap3A_99 = arith.constant 256 : index
    %swap3A_100 = tpu.vector_load %arg9[%swap3A_99] {strides = array<i32>} : memref<512xi32, #tpu.memory_space<vmem>>, vector<16xi32>,
    %swap3A_101 = vector.shape_cast %swap3A_100 : vector<16xi32> to vector<16xi32>
    %swap3A_102 = vector.shape_cast %broadcast_in_dim3A_3 : vector<16xi32> to vector<16xi32>
    tpu.vector_store %arg9[%swap3A_99], %swap3A_102 {strides = array<i32>} : memref<512xi32, #tpu.memory_space<vmem>>, vector<16xi32>,
    %swap3A_103 = arith.constant 272 : index
    %swap3A_104 = tpu.vector_load %arg9[%swap3A_103] {strides = array<i32>} : memref<512xi32, #tpu.memory_space<vmem>>, vector<16xi32>,
    %swap3A_105 = vector.shape_cast %swap3A_104 : vector<16xi32> to vector<16xi32>
    %swap3A_106 = vector.shape_cast %broadcast_in_dim3A_3 : vector<16xi32> to vector<16xi32>
    tpu.vector_store %arg9[%swap3A_103], %swap3A_106 {strides = array<i32>} : memref<512xi32, #tpu.memory_space<vmem>>, vector<16xi32>,
    %swap3A_107 = arith.constant 288 : index
    %swap3A_108 = tpu.vector_load %arg9[%swap3A_107] {strides = array<i32>} : memref<512xi32, #tpu.memory_space<vmem>>, vector<16xi32>,
    %swap3A_109 = vector.shape_cast %swap3A_108 : vector<16xi32> to vector<16xi32>
    %swap3A_110 = vector.shape_cast %broadcast_in_dim3A_3 : vector<16xi32> to vector<16xi32>
    tpu.vector_store %arg9[%swap3A_107], %swap3A_110 {strides = array<i32>} : memref<512xi32, #tpu.memory_space<vmem>>, vector<16xi32>,
    %swap3A_111 = arith.constant 304 : index
    %swap3A_112 = tpu.vector_load %arg9[%swap3A_111] {strides = array<i32>} : memref<512xi32, #tpu.memory_space<vmem>>, vector<16xi32>,
    %swap3A_113 = vector.shape_cast %swap3A_112 : vector<16xi32> to vector<16xi32>
    %swap3A_114 = vector.shape_cast %broadcast_in_dim3A_3 : vector<16xi32> to vector<16xi32>
    tpu.vector_store %arg9[%swap3A_111], %swap3A_114 {strides = array<i32>} : memref<512xi32, #tpu.memory_space<vmem>>, vector<16xi32>,
    %swap3A_115 = arith.constant 320 : index
    %swap3A_116 = tpu.vector_load %arg9[%swap3A_115] {strides = array<i32>} : memref<512xi32, #tpu.memory_space<vmem>>, vector<16xi32>,
    %swap3A_117 = vector.shape_cast %swap3A_116 : vector<16xi32> to vector<16xi32>
    %swap3A_118 = vector.shape_cast %broadcast_in_dim3A_3 : vector<16xi32> to vector<16xi32>
    tpu.vector_store %arg9[%swap3A_115], %swap3A_118 {strides = array<i32>} : memref<512xi32, #tpu.memory_space<vmem>>, vector<16xi32>,
    %swap3A_119 = arith.constant 336 : index
    %swap3A_120 = tpu.vector_load %arg9[%swap3A_119] {strides = array<i32>} : memref<512xi32, #tpu.memory_space<vmem>>, vector<16xi32>,
    %swap3A_121 = vector.shape_cast %swap3A_120 : vector<16xi32> to vector<16xi32>
    %swap3A_122 = vector.shape_cast %broadcast_in_dim3A_3 : vector<16xi32> to vector<16xi32>
    tpu.vector_store %arg9[%swap3A_119], %swap3A_122 {strides = array<i32>} : memref<512xi32, #tpu.memory_space<vmem>>, vector<16xi32>,
    %swap3A_123 = arith.constant 352 : index
    %swap3A_124 = tpu.vector_load %arg9[%swap3A_123] {strides = array<i32>} : memref<512xi32, #tpu.memory_space<vmem>>, vector<16xi32>,
    %swap3A_125 = vector.shape_cast %swap3A_124 : vector<16xi32> to vector<16xi32>
    %swap3A_126 = vector.shape_cast %broadcast_in_dim3A_3 : vector<16xi32> to vector<16xi32>
    tpu.vector_store %arg9[%swap3A_123], %swap3A_126 {strides = array<i32>} : memref<512xi32, #tpu.memory_space<vmem>>, vector<16xi32>,
    %swap3A_127 = arith.constant 368 : index
    %swap3A_128 = tpu.vector_load %arg9[%swap3A_127] {strides = array<i32>} : memref<512xi32, #tpu.memory_space<vmem>>, vector<16xi32>,
    %swap3A_129 = vector.shape_cast %swap3A_128 : vector<16xi32> to vector<16xi32>
    %swap3A_130 = vector.shape_cast %broadcast_in_dim3A_3 : vector<16xi32> to vector<16xi32>
    tpu.vector_store %arg9[%swap3A_127], %swap3A_130 {strides = array<i32>} : memref<512xi32, #tpu.memory_space<vmem>>, vector<16xi32>,
    %swap3A_131 = arith.constant 384 : index
    %swap3A_132 = tpu.vector_load %arg9[%swap3A_131] {strides = array<i32>} : memref<512xi32, #tpu.memory_space<vmem>>, vector<16xi32>,
    %swap3A_133 = vector.shape_cast %swap3A_132 : vector<16xi32> to vector<16xi32>
    %swap3A_134 = vector.shape_cast %broadcast_in_dim3A_3 : vector<16xi32> to vector<16xi32>
    tpu.vector_store %arg9[%swap3A_131], %swap3A_134 {strides = array<i32>} : memref<512xi32, #tpu.memory_space<vmem>>, vector<16xi32>,
    %swap3A_135 = arith.constant 400 : index
    %swap3A_136 = tpu.vector_load %arg9[%swap3A_135] {strides = array<i32>} : memref<512xi32, #tpu.memory_space<vmem>>, vector<16xi32>,
    %swap3A_137 = vector.shape_cast %swap3A_136 : vector<16xi32> to vector<16xi32>
    %swap3A_138 = vector.shape_cast %broadcast_in_dim3A_3 : vector<16xi32> to vector<16xi32>
    tpu.vector_store %arg9[%swap3A_135], %swap3A_138 {strides = array<i32>} : memref<512xi32, #tpu.memory_space<vmem>>, vector<16xi32>,
    %swap3A_139 = arith.constant 416 : index
    %swap3A_140 = tpu.vector_load %arg9[%swap3A_139] {strides = array<i32>} : memref<512xi32, #tpu.memory_space<vmem>>, vector<16xi32>,
    %swap3A_141 = vector.shape_cast %swap3A_140 : vector<16xi32> to vector<16xi32>
    %swap3A_142 = vector.shape_cast %broadcast_in_dim3A_3 : vector<16xi32> to vector<16xi32>
    tpu.vector_store %arg9[%swap3A_139], %swap3A_142 {strides = array<i32>} : memref<512xi32, #tpu.memory_space<vmem>>, vector<16xi32>,
    %swap3A_143 = arith.constant 432 : index
    %swap3A_144 = tpu.vector_load %arg9[%swap3A_143] {strides = array<i32>} : memref<512xi32, #tpu.memory_space<vmem>>, vector<16xi32>,
    %swap3A_145 = vector.shape_cast %swap3A_144 : vector<16xi32> to vector<16xi32>
    %swap3A_146 = vector.shape_cast %broadcast_in_dim3A_3 : vector<16xi32> to vector<16xi32>
    tpu.vector_store %arg9[%swap3A_143], %swap3A_146 {strides = array<i32>} : memref<512xi32, #tpu.memory_space<vmem>>, vector<16xi32>,
    %swap3A_147 = arith.constant 448 : index
    %swap3A_148 = tpu.vector_load %arg9[%swap3A_147] {strides = array<i32>} : memref<512xi32, #tpu.memory_space<vmem>>, vector<16xi32>,
    %swap3A_149 = vector.shape_cast %swap3A_148 : vector<16xi32> to vector<16xi32>
    %swap3A_150 = vector.shape_cast %broadcast_in_dim3A_3 : vector<16xi32> to vector<16xi32>
    tpu.vector_store %arg9[%swap3A_147], %swap3A_150 {strides = array<i32>} : memref<512xi32, #tpu.memory_space<vmem>>, vector<16xi32>,
    %swap3A_151 = arith.constant 464 : index
    %swap3A_152 = tpu.vector_load %arg9[%swap3A_151] {strides = array<i32>} : memref<512xi32, #tpu.memory_space<vmem>>, vector<16xi32>,
    %swap3A_153 = vector.shape_cast %swap3A_152 : vector<16xi32> to vector<16xi32>
    %swap3A_154 = vector.shape_cast %broadcast_in_dim3A_3 : vector<16xi32> to vector<16xi32>
    tpu.vector_store %arg9[%swap3A_151], %swap3A_154 {strides = array<i32>} : memref<512xi32, #tpu.memory_space<vmem>>, vector<16xi32>,
    %swap3A_155 = arith.constant 480 : index
    %swap3A_156 = tpu.vector_load %arg9[%swap3A_155] {strides = array<i32>} : memref<512xi32, #tpu.memory_space<vmem>>, vector<16xi32>,
    %swap3A_157 = vector.shape_cast %swap3A_156 : vector<16xi32> to vector<16xi32>
    %swap3A_158 = vector.shape_cast %broadcast_in_dim3A_3 : vector<16xi32> to vector<16xi32>
    tpu.vector_store %arg9[%swap3A_155], %swap3A_158 {strides = array<i32>} : memref<512xi32, #tpu.memory_space<vmem>>, vector<16xi32>,
    %swap3A_159 = arith.constant 496 : index
    %swap3A_160 = tpu.vector_load %arg9[%swap3A_159] {strides = array<i32>} : memref<512xi32, #tpu.memory_space<vmem>>, vector<16xi32>,
    %swap3A_161 = vector.shape_cast %swap3A_160 : vector<16xi32> to vector<16xi32>
    %swap3A_162 = vector.shape_cast %broadcast_in_dim3A_3 : vector<16xi32> to vector<16xi32>
    tpu.vector_store %arg9[%swap3A_159], %swap3A_162 {strides = array<i32>} : memref<512xi32, #tpu.memory_space<vmem>>, vector<16xi32>,
    %mul3A_163 = arith.constant 512 : i32
    %mul3A_164 = arith.muli %arg1, %mul3A_163 : i32
    "tpu.region"() ({
      %run_scoped3A = tpu.sem_alloc : memref<!tpu.dma_semaphore, #tpu.memory_space<semaphore_mem>>
      %dma_start3A = tpu.memref_slice %arg10[%mul3A_164] : memref<8192xi32, #tpu.memory_space<vmem_shared>> -> memref<512xi32, #tpu.memory_space<vmem_shared>>
      %dma_start3A_199 = tpu.memref_slice %arg10[%mul3A_164] : memref<8192xi32, #tpu.memory_space<vmem_shared>> -> memref<512xi32, #tpu.memory_space<vmem_shared>>
      tpu.enqueue_dma source(%arg9 : memref<512xi32, #tpu.memory_space<vmem>>) target(%dma_start3A_199 : memref<512xi32, #tpu.memory_space<vmem_shared>>) target_semaphore(%run_scoped3A : memref<!tpu.dma_semaphore, #tpu.memory_space<semaphore_mem>>)
      %dma_wait3A_200 = tpu.memref_slice %arg10[%mul3A_164] : memref<8192xi32, #tpu.memory_space<vmem_shared>> -> memref<512xi32, #tpu.memory_space<vmem_shared>>
      %dma_wait3A_201 = tpu.memref_slice %arg10[%mul3A_164] : memref<8192xi32, #tpu.memory_space<vmem_shared>> -> memref<512xi32, #tpu.memory_space<vmem_shared>>
      tpu.wait_dma2 semaphore(%run_scoped3A : memref<!tpu.dma_semaphore, #tpu.memory_space<semaphore_mem>>) src(%arg9 : memref<512xi32, #tpu.memory_space<vmem>>) dst(%dma_wait3A_201 : memref<512xi32, #tpu.memory_space<vmem_shared>>)
      tpu.yield
    }) : () -> ()
    %barrier3A = arith.constant 0 : index
    tpu.barrier barrier_id(%barrier3A)
    %scan3A = arith.constant 0 : i32
    %scan3A_165 = arith.constant 0 : i32
    %scan3A_166 = arith.constant 10 : i32
    %scan3A_167 = arith.addi %scan3A_165, %scan3A_166 : i32
    %scan3A_168 = arith.constant 1 : i32
    scf.for %scan3A_199 = %scan3A_165 to %scan3A_167 step %scan3A_168  : i32 {
      %dma_start3A = arith.constant 0 : i32
      %dma_start3A_200 = tpu.memref_slice %arg6[%scan3A_199, %dma_start3A] : memref<10x128xi32, #tpu.memory_space<vmem>> -> memref<1x128xi32, #tpu.memory_space<vmem>>
      %dma_start3A_201 = tpu.memref_squeeze %dma_start3A_200 : memref<1x128xi32, #tpu.memory_space<vmem>> -> memref<128xi32, #tpu.memory_space<vmem>>
      %dma_start3A_202 = arith.constant 0 : i32
      %dma_start3A_203 = tpu.memref_slice %arg10[%dma_start3A_202] : memref<8192xi32, #tpu.memory_space<vmem_shared>> -> memref<8192xi32, #tpu.memory_space<vmem_shared>>
      tpu.enqueue_indirect_dma source(%arg8 : memref<128xi32, #tpu.memory_space<vmem>>) target(%dma_start3A_203 : memref<8192xi32, #tpu.memory_space<vmem_shared>>) offsets(%dma_start3A_201 : memref<128xi32, #tpu.memory_space<vmem>>) semaphore(%arg13 : memref<!tpu.dma_semaphore, #tpu.memory_space<semaphore_mem>>) {add = true}
    }
    %scan3A_169 = arith.constant 10 : i32
    %scan3A_170 = arith.constant 0 : i32
    %scan3A_171 = arith.constant 0 : i32
    %scan3A_172 = arith.constant 10 : i32
    %scan3A_173 = arith.addi %scan3A_171, %scan3A_172 : i32
    %scan3A_174 = arith.constant 1 : i32
    scf.for %scan3A_199 = %scan3A_171 to %scan3A_173 step %scan3A_174  : i32 {
      %dma_start3A = arith.constant 0 : i32
      %dma_start3A_200 = arith.constant 0 : i32
      %dma_start3A_201 = tpu.memref_slice %arg7[%scan3A_199, %dma_start3A, %dma_start3A_200] : memref<10x128x64xf32, #tpu.memory_space<vmem>> -> memref<1x128x64xf32, #tpu.memory_space<vmem>>
      %dma_start3A_202 = tpu.memref_squeeze %dma_start3A_201 : memref<1x128x64xf32, #tpu.memory_space<vmem>> -> memref<128x64xf32, #tpu.memory_space<vmem>>
      %dma_start3A_203 = arith.constant 0 : i32
      %dma_start3A_204 = tpu.memref_slice %arg6[%scan3A_199, %dma_start3A_203] : memref<10x128xi32, #tpu.memory_space<vmem>> -> memref<1x128xi32, #tpu.memory_space<vmem>>
      %dma_start3A_205 = tpu.memref_squeeze %dma_start3A_204 : memref<1x128xi32, #tpu.memory_space<vmem>> -> memref<128xi32, #tpu.memory_space<vmem>>
      %dma_start3A_206 = arith.constant 0 : i32
      %dma_start3A_207 = arith.constant 0 : i32
      %dma_start3A_208 = tpu.memref_slice %arg3[%dma_start3A_206, %dma_start3A_207] : memref<8192x64xf32, #tpu.memory_space<hbm>> -> memref<8192x64xf32, #tpu.memory_space<hbm>>
      tpu.enqueue_indirect_dma source(%dma_start3A_208 : memref<8192x64xf32, #tpu.memory_space<hbm>>) target(%dma_start3A_202 : memref<128x64xf32, #tpu.memory_space<vmem>>) offsets(%dma_start3A_205 : memref<128xi32, #tpu.memory_space<vmem>>) semaphore(%arg11 : memref<!tpu.dma_semaphore, #tpu.memory_space<semaphore_mem>>)
    }
    %scan3A_175 = arith.constant 10 : i32
    %scan3A_176 = arith.constant 0 : i32
    %scan3A_177 = arith.constant 0 : i32
    %scan3A_178 = arith.constant 10 : i32
    %scan3A_179 = arith.addi %scan3A_177, %scan3A_178 : i32
    %scan3A_180 = arith.constant 1 : i32
    scf.for %scan3A_199 = %scan3A_177 to %scan3A_179 step %scan3A_180  : i32 {
      %dma_wait3A_200 = arith.constant 0 : i32
      %dma_wait3A_201 = arith.constant 0 : i32
      %dma_wait3A_202 = tpu.memref_slice %arg7[%scan3A_199, %dma_wait3A_200, %dma_wait3A_201] : memref<10x128x64xf32, #tpu.memory_space<vmem>> -> memref<1x128x64xf32, #tpu.memory_space<vmem>>
      %dma_wait3A_203 = tpu.memref_squeeze %dma_wait3A_202 : memref<1x128x64xf32, #tpu.memory_space<vmem>> -> memref<128x64xf32, #tpu.memory_space<vmem>>
      %dma_wait3A_204 = arith.constant 0 : i32
      %dma_wait3A_205 = arith.constant 0 : i32
      %dma_wait3A_206 = tpu.memref_slice %arg3[%dma_wait3A_204, %dma_wait3A_205] : memref<8192x64xf32, #tpu.memory_space<hbm>> -> memref<128x64xf32, #tpu.memory_space<hbm>>
      %dma_wait3A_207 = arith.constant 0 : i32
      %dma_wait3A_208 = arith.constant 0 : i32
      %dma_wait3A_209 = tpu.memref_slice %arg7[%scan3A_199, %dma_wait3A_207, %dma_wait3A_208] : memref<10x128x64xf32, #tpu.memory_space<vmem>> -> memref<1x128x64xf32, #tpu.memory_space<vmem>>
      %dma_wait3A_210 = tpu.memref_squeeze %dma_wait3A_209 : memref<1x128x64xf32, #tpu.memory_space<vmem>> -> memref<128x64xf32, #tpu.memory_space<vmem>>
      %dma_wait3A_211 = arith.constant 0 : i32
      %dma_wait3A_212 = arith.constant 0 : i32
      %dma_wait3A_213 = tpu.memref_slice %arg3[%dma_wait3A_211, %dma_wait3A_212] : memref<8192x64xf32, #tpu.memory_space<hbm>> -> memref<128x64xf32, #tpu.memory_space<hbm>>
      tpu.wait_dma2 semaphore(%arg11 : memref<!tpu.dma_semaphore, #tpu.memory_space<semaphore_mem>>) src(%dma_wait3A_213 : memref<128x64xf32, #tpu.memory_space<hbm>>) dst(%dma_wait3A_210 : memref<128x64xf32, #tpu.memory_space<vmem>>)
      %mul3A_214 = arith.constant 10 : i32
      %mul3A_215 = arith.muli %add3A, %mul3A_214 : i32
      %add3A_216 = arith.addi %mul3A_215, %scan3A_199 : i32
      %dma_start3A = arith.constant 0 : i32
      %dma_start3A_217 = arith.constant 0 : i32
      %dma_start3A_218 = tpu.memref_slice %arg7[%scan3A_199, %dma_start3A, %dma_start3A_217] : memref<10x128x64xf32, #tpu.memory_space<vmem>> -> memref<1x128x64xf32, #tpu.memory_space<vmem>>
      %dma_start3A_219 = tpu.memref_squeeze %dma_start3A_218 : memref<1x128x64xf32, #tpu.memory_space<vmem>> -> memref<128x64xf32, #tpu.memory_space<vmem>>
      %dma_start3A_220 = arith.constant 0 : i32
      %dma_start3A_221 = arith.constant 0 : i32
      %dma_start3A_222 = tpu.memref_slice %arg4[%add3A_216, %dma_start3A_220, %dma_start3A_221] : memref<320x128x64xf32, #tpu.memory_space<hbm>> -> memref<1x128x64xf32, #tpu.memory_space<hbm>>
      %dma_start3A_223 = tpu.memref_squeeze %dma_start3A_222 : memref<1x128x64xf32, #tpu.memory_space<hbm>> -> memref<128x64xf32, #tpu.memory_space<hbm>>
      %dma_start3A_224 = arith.constant 0 : i32
      %dma_start3A_225 = arith.constant 0 : i32
      %dma_start3A_226 = tpu.memref_slice %arg4[%add3A_216, %dma_start3A_224, %dma_start3A_225] : memref<320x128x64xf32, #tpu.memory_space<hbm>> -> memref<1x128x64xf32, #tpu.memory_space<hbm>>
      %dma_start3A_227 = tpu.memref_squeeze %dma_start3A_226 : memref<1x128x64xf32, #tpu.memory_space<hbm>> -> memref<128x64xf32, #tpu.memory_space<hbm>>
      %dma_start3A_228 = arith.constant 0 : i32
      %dma_start3A_229 = arith.constant 0 : i32
      %dma_start3A_230 = tpu.memref_slice %arg7[%scan3A_199, %dma_start3A_228, %dma_start3A_229] : memref<10x128x64xf32, #tpu.memory_space<vmem>> -> memref<1x128x64xf32, #tpu.memory_space<vmem>>
      %dma_start3A_231 = tpu.memref_squeeze %dma_start3A_230 : memref<1x128x64xf32, #tpu.memory_space<vmem>> -> memref<128x64xf32, #tpu.memory_space<vmem>>
      tpu.enqueue_dma source(%dma_start3A_231 : memref<128x64xf32, #tpu.memory_space<vmem>>) target(%dma_start3A_227 : memref<128x64xf32, #tpu.memory_space<hbm>>) target_semaphore(%arg12 : memref<!tpu.dma_semaphore, #tpu.memory_space<semaphore_mem>>)
    }
    %scan3A_181 = arith.constant 10 : i32
    %scan3A_182 = arith.constant 0 : i32
    %scan3A_183 = arith.constant 0 : i32
    %scan3A_184 = arith.constant 10 : i32
    %scan3A_185 = arith.addi %scan3A_183, %scan3A_184 : i32
    %scan3A_186 = arith.constant 1 : i32
    scf.for %scan3A_199 = %scan3A_183 to %scan3A_185 step %scan3A_186  : i32 {
      %dma_wait3A_200 = arith.constant 0 : i32
      %dma_wait3A_201 = arith.constant 0 : i32
      %dma_wait3A_202 = arith.constant 0 : i32
      %dma_wait3A_203 = tpu.memref_slice %arg7[%dma_wait3A_200, %dma_wait3A_201, %dma_wait3A_202] : memref<10x128x64xf32, #tpu.memory_space<vmem>> -> memref<1x128x64xf32, #tpu.memory_space<vmem>>
      %dma_wait3A_204 = tpu.memref_squeeze %dma_wait3A_203 : memref<1x128x64xf32, #tpu.memory_space<vmem>> -> memref<128x64xf32, #tpu.memory_space<vmem>>
      %dma_wait3A_205 = arith.constant 0 : i32
      %dma_wait3A_206 = arith.constant 0 : i32
      %dma_wait3A_207 = tpu.memref_slice %arg3[%dma_wait3A_205, %dma_wait3A_206] : memref<8192x64xf32, #tpu.memory_space<hbm>> -> memref<128x64xf32, #tpu.memory_space<hbm>>
      %dma_wait3A_208 = arith.constant 0 : i32
      %dma_wait3A_209 = arith.constant 0 : i32
      %dma_wait3A_210 = tpu.memref_slice %arg7[%dma_wait3A_200, %dma_wait3A_208, %dma_wait3A_209] : memref<10x128x64xf32, #tpu.memory_space<vmem>> -> memref<1x128x64xf32, #tpu.memory_space<vmem>>
      %dma_wait3A_211 = tpu.memref_squeeze %dma_wait3A_210 : memref<1x128x64xf32, #tpu.memory_space<vmem>> -> memref<128x64xf32, #tpu.memory_space<vmem>>
      %dma_wait3A_212 = arith.constant 0 : i32
      %dma_wait3A_213 = arith.constant 0 : i32
      %dma_wait3A_214 = tpu.memref_slice %arg3[%dma_wait3A_212, %dma_wait3A_213] : memref<8192x64xf32, #tpu.memory_space<hbm>> -> memref<128x64xf32, #tpu.memory_space<hbm>>
      tpu.wait_dma2 semaphore(%arg12 : memref<!tpu.dma_semaphore, #tpu.memory_space<semaphore_mem>>) src(%dma_wait3A_214 : memref<128x64xf32, #tpu.memory_space<hbm>>) dst(%dma_wait3A_211 : memref<128x64xf32, #tpu.memory_space<vmem>>)
    }
    %scan3A_187 = arith.constant 10 : i32
    %dma_wait3A = arith.constant 0 : i32
    %dma_wait3A_188 = arith.constant 0 : i32
    %dma_wait3A_189 = arith.constant 0 : i32
    %dma_wait3A_190 = tpu.memref_slice %arg2[%dma_wait3A, %dma_wait3A_188, %dma_wait3A_189] : memref<32x10x128xi32, #tpu.memory_space<hbm>> -> memref<1x10x128xi32, #tpu.memory_space<hbm>>
    %dma_wait3A_191 = tpu.memref_squeeze %dma_wait3A_190 : memref<1x10x128xi32, #tpu.memory_space<hbm>> -> memref<10x128xi32, #tpu.memory_space<hbm>>
    %dma_wait3A_192 = arith.constant 0 : i32
    %dma_wait3A_193 = arith.constant 0 : i32
    %dma_wait3A_194 = tpu.memref_slice %arg2[%dma_wait3A, %dma_wait3A_192, %dma_wait3A_193] : memref<32x10x128xi32, #tpu.memory_space<hbm>> -> memref<1x10x128xi32, #tpu.memory_space<hbm>>
    %dma_wait3A_195 = tpu.memref_squeeze %dma_wait3A_194 : memref<1x10x128xi32, #tpu.memory_space<hbm>> -> memref<10x128xi32, #tpu.memory_space<hbm>>
    tpu.wait_dma2 semaphore(%arg13 : memref<!tpu.dma_semaphore, #tpu.memory_space<semaphore_mem>>) src(%dma_wait3A_195 : memref<10x128xi32, #tpu.memory_space<hbm>>) dst(%arg6 : memref<10x128xi32, #tpu.memory_space<vmem>>)
    %barrier3A_196 = arith.constant 0 : index
    tpu.barrier barrier_id(%barrier3A_196)
    %mul3A_197 = arith.constant 512 : i32
    %mul3A_198 = arith.muli %arg1, %mul3A_197 : i32
    "tpu.region"() ({
      %run_scoped3A = tpu.sem_alloc : memref<!tpu.dma_semaphore, #tpu.memory_space<semaphore_mem>>
      %dma_start3A = arith.constant 0 : i32
      %dma_start3A_199 = tpu.memref_slice %arg5[%arg0, %dma_start3A] : memref<2x8192xi32, #tpu.memory_space<hbm>> -> memref<1x8192xi32, #tpu.memory_space<hbm>>
      %dma_start3A_200 = tpu.memref_squeeze %dma_start3A_199 : memref<1x8192xi32, #tpu.memory_space<hbm>> -> memref<8192xi32, #tpu.memory_space<hbm>>
      %dma_start3A_201 = tpu.memref_slice %dma_start3A_200[%mul3A_198] : memref<8192xi32, #tpu.memory_space<hbm>> -> memref<512xi32, #tpu.memory_space<hbm>>
      %dma_start3A_202 = tpu.memref_slice %arg10[%mul3A_198] : memref<8192xi32, #tpu.memory_space<vmem_shared>> -> memref<512xi32, #tpu.memory_space<vmem_shared>>
      tpu.enqueue_dma source(%dma_start3A_202 : memref<512xi32, #tpu.memory_space<vmem_shared>>) target(%dma_start3A_201 : memref<512xi32, #tpu.memory_space<hbm>>) target_semaphore(%run_scoped3A : memref<!tpu.dma_semaphore, #tpu.memory_space<semaphore_mem>>)
      %dma_wait3A_203 = arith.constant 0 : i32
      %dma_wait3A_204 = tpu.memref_slice %arg5[%arg0, %dma_wait3A_203] : memref<2x8192xi32, #tpu.memory_space<hbm>> -> memref<1x8192xi32, #tpu.memory_space<hbm>>
      %dma_wait3A_205 = tpu.memref_squeeze %dma_wait3A_204 : memref<1x8192xi32, #tpu.memory_space<hbm>> -> memref<8192xi32, #tpu.memory_space<hbm>>
      %dma_wait3A_206 = tpu.memref_slice %dma_wait3A_205[%mul3A_198] : memref<8192xi32, #tpu.memory_space<hbm>> -> memref<512xi32, #tpu.memory_space<hbm>>
      %dma_wait3A_207 = tpu.memref_slice %arg10[%mul3A_198] : memref<8192xi32, #tpu.memory_space<vmem_shared>> -> memref<512xi32, #tpu.memory_space<vmem_shared>>
      tpu.wait_dma2 semaphore(%run_scoped3A : memref<!tpu.dma_semaphore, #tpu.memory_space<semaphore_mem>>) src(%dma_wait3A_207 : memref<512xi32, #tpu.memory_space<vmem_shared>>) dst(%dma_wait3A_206 : memref<512xi32, #tpu.memory_space<hbm>>)
      tpu.yield
    }) : () -> ()
    return
  }
}

#map = affine_map<(d0, d1) -> (0, 0, 0)>
#map1 = affine_map<(d0, d1) -> (0, 0)>
module attributes {stable_mosaic.version = 14 : i64} {
  func.func @_sc_body(%arg0: i32, %arg1: i32, %arg2: memref<32x6x128xi32, #tpu.memory_space<hbm>>, %arg3: memref<8192x64xf32, #tpu.memory_space<hbm>>, %arg4: memref<192x128x64xf32, #tpu.memory_space<hbm>>, %arg5: memref<2x8192xi32, #tpu.memory_space<hbm>>, %arg6: memref<6x128xi32, #tpu.memory_space<vmem>>, %arg7: memref<6x128x64xf32, #tpu.memory_space<vmem>>, %arg8: memref<128xi32, #tpu.memory_space<vmem>>, %arg9: memref<512xi32, #tpu.memory_space<vmem>>, %arg10: memref<8192xi32, #tpu.memory_space<vmem_shared>>, %arg11: memref<!tpu.dma_semaphore, #tpu.memory_space<semaphore_mem>>, %arg12: memref<!tpu.dma_semaphore, #tpu.memory_space<semaphore_mem>>, %arg13: memref<!tpu.dma_semaphore, #tpu.memory_space<semaphore_mem>>) attributes {dimension_semantics = [#tpu.dimension_semantics<core_parallel>, #tpu.dimension_semantics<subcore_parallel>], iteration_bounds = array<i64: 2, 16>, scalar_prefetch = 0 : i64, scratch_operands = 8 : i64, tpu.core_type = #tpu.core_type<sc_vector_subcore>, window_params = [{transform_indices = #map}, {transform_indices = #map1}, {transform_indices = #map}, {transform_indices = #map1}]} {
    %mul3A = arith.constant 2 : i32
    %mul3A_0 = arith.muli %arg1, %mul3A : i32
    %add3A = arith.addi %mul3A_0, %arg0 : i32
    "tpu.region"() ({
      %run_scoped3A = tpu.sem_alloc : memref<!tpu.dma_semaphore, #tpu.memory_space<semaphore_mem>>
      %dma_start3A = arith.constant 0 : i32
      %dma_start3A_199 = arith.constant 0 : i32
      %dma_start3A_200 = tpu.memref_slice %arg2[%add3A, %dma_start3A, %dma_start3A_199] : memref<32x6x128xi32, #tpu.memory_space<hbm>> -> memref<1x6x128xi32, #tpu.memory_space<hbm>>
      %dma_start3A_201 = tpu.memref_squeeze %dma_start3A_200 : memref<1x6x128xi32, #tpu.memory_space<hbm>> -> memref<6x128xi32, #tpu.memory_space<hbm>>
      %dma_start3A_202 = arith.constant 0 : i32
      %dma_start3A_203 = arith.constant 0 : i32
      %dma_start3A_204 = tpu.memref_slice %arg2[%add3A, %dma_start3A_202, %dma_start3A_203] : memref<32x6x128xi32, #tpu.memory_space<hbm>> -> memref<1x6x128xi32, #tpu.memory_space<hbm>>
      %dma_start3A_205 = tpu.memref_squeeze %dma_start3A_204 : memref<1x6x128xi32, #tpu.memory_space<hbm>> -> memref<6x128xi32, #tpu.memory_space<hbm>>
      tpu.enqueue_dma source(%dma_start3A_205 : memref<6x128xi32, #tpu.memory_space<hbm>>) target(%arg6 : memref<6x128xi32, #tpu.memory_space<vmem>>) target_semaphore(%run_scoped3A : memref<!tpu.dma_semaphore, #tpu.memory_space<semaphore_mem>>)
      %dma_wait3A_206 = arith.constant 0 : i32
      %dma_wait3A_207 = arith.constant 0 : i32
      %dma_wait3A_208 = tpu.memref_slice %arg2[%add3A, %dma_wait3A_206, %dma_wait3A_207] : memref<32x6x128xi32, #tpu.memory_space<hbm>> -> memref<1x6x128xi32, #tpu.memory_space<hbm>>
      %dma_wait3A_209 = tpu.memref_squeeze %dma_wait3A_208 : memref<1x6x128xi32, #tpu.memory_space<hbm>> -> memref<6x128xi32, #tpu.memory_space<hbm>>
      %dma_wait3A_210 = arith.constant 0 : i32
      %dma_wait3A_211 = arith.constant 0 : i32
      %dma_wait3A_212 = tpu.memref_slice %arg2[%add3A, %dma_wait3A_210, %dma_wait3A_211] : memref<32x6x128xi32, #tpu.memory_space<hbm>> -> memref<1x6x128xi32, #tpu.memory_space<hbm>>
      %dma_wait3A_213 = tpu.memref_squeeze %dma_wait3A_212 : memref<1x6x128xi32, #tpu.memory_space<hbm>> -> memref<6x128xi32, #tpu.memory_space<hbm>>
      tpu.wait_dma2 semaphore(%run_scoped3A : memref<!tpu.dma_semaphore, #tpu.memory_space<semaphore_mem>>) src(%dma_wait3A_213 : memref<6x128xi32, #tpu.memory_space<hbm>>) dst(%arg6 : memref<6x128xi32, #tpu.memory_space<vmem>>)
      tpu.yield
    }) : () -> ()
    %broadcast_in_dim3A = arith.constant 1 : i32
    %broadcast_in_dim3A_1 = vector.broadcast %broadcast_in_dim3A : i32 to vector<16xi32>
    %broadcast_in_dim3A_2 = arith.constant 0 : i32
    %broadcast_in_dim3A_3 = vector.broadcast %broadcast_in_dim3A_2 : i32 to vector<16xi32>
    %swap3A = arith.constant 0 : index
    %swap3A_4 = tpu.vector_load %arg8[%swap3A] {strides = array<i32>} : memref<128xi32, #tpu.memory_space<vmem>>, vector<16xi32>,
    %swap3A_5 = vector.shape_cast %swap3A_4 : vector<16xi32> to vector<16xi32>
    %swap3A_6 = vector.shape_cast %broadcast_in_dim3A_1 : vector<16xi32> to vector<16xi32>
    tpu.vector_store %arg8[%swap3A], %swap3A_6 {strides = array<i32>} : memref<128xi32, #tpu.memory_space<vmem>>, vector<16xi32>,
    %swap3A_7 = arith.constant 16 : index
    %swap3A_8 = tpu.vector_load %arg8[%swap3A_7] {strides = array<i32>} : memref<128xi32, #tpu.memory_space<vmem>>, vector<16xi32>,
    %swap3A_9 = vector.shape_cast %swap3A_8 : vector<16xi32> to vector<16xi32>
    %swap3A_10 = vector.shape_cast %broadcast_in_dim3A_1 : vector<16xi32> to vector<16xi32>
    tpu.vector_store %arg8[%swap3A_7], %swap3A_10 {strides = array<i32>} : memref<128xi32, #tpu.memory_space<vmem>>, vector<16xi32>,
    %swap3A_11 = arith.constant 32 : index
    %swap3A_12 = tpu.vector_load %arg8[%swap3A_11] {strides = array<i32>} : memref<128xi32, #tpu.memory_space<vmem>>, vector<16xi32>,
    %swap3A_13 = vector.shape_cast %swap3A_12 : vector<16xi32> to vector<16xi32>
    %swap3A_14 = vector.shape_cast %broadcast_in_dim3A_1 : vector<16xi32> to vector<16xi32>
    tpu.vector_store %arg8[%swap3A_11], %swap3A_14 {strides = array<i32>} : memref<128xi32, #tpu.memory_space<vmem>>, vector<16xi32>,
    %swap3A_15 = arith.constant 48 : index
    %swap3A_16 = tpu.vector_load %arg8[%swap3A_15] {strides = array<i32>} : memref<128xi32, #tpu.memory_space<vmem>>, vector<16xi32>,
    %swap3A_17 = vector.shape_cast %swap3A_16 : vector<16xi32> to vector<16xi32>
    %swap3A_18 = vector.shape_cast %broadcast_in_dim3A_1 : vector<16xi32> to vector<16xi32>
    tpu.vector_store %arg8[%swap3A_15], %swap3A_18 {strides = array<i32>} : memref<128xi32, #tpu.memory_space<vmem>>, vector<16xi32>,
    %swap3A_19 = arith.constant 64 : index
    %swap3A_20 = tpu.vector_load %arg8[%swap3A_19] {strides = array<i32>} : memref<128xi32, #tpu.memory_space<vmem>>, vector<16xi32>,
    %swap3A_21 = vector.shape_cast %swap3A_20 : vector<16xi32> to vector<16xi32>
    %swap3A_22 = vector.shape_cast %broadcast_in_dim3A_1 : vector<16xi32> to vector<16xi32>
    tpu.vector_store %arg8[%swap3A_19], %swap3A_22 {strides = array<i32>} : memref<128xi32, #tpu.memory_space<vmem>>, vector<16xi32>,
    %swap3A_23 = arith.constant 80 : index
    %swap3A_24 = tpu.vector_load %arg8[%swap3A_23] {strides = array<i32>} : memref<128xi32, #tpu.memory_space<vmem>>, vector<16xi32>,
    %swap3A_25 = vector.shape_cast %swap3A_24 : vector<16xi32> to vector<16xi32>
    %swap3A_26 = vector.shape_cast %broadcast_in_dim3A_1 : vector<16xi32> to vector<16xi32>
    tpu.vector_store %arg8[%swap3A_23], %swap3A_26 {strides = array<i32>} : memref<128xi32, #tpu.memory_space<vmem>>, vector<16xi32>,
    %swap3A_27 = arith.constant 96 : index
    %swap3A_28 = tpu.vector_load %arg8[%swap3A_27] {strides = array<i32>} : memref<128xi32, #tpu.memory_space<vmem>>, vector<16xi32>,
    %swap3A_29 = vector.shape_cast %swap3A_28 : vector<16xi32> to vector<16xi32>
    %swap3A_30 = vector.shape_cast %broadcast_in_dim3A_1 : vector<16xi32> to vector<16xi32>
    tpu.vector_store %arg8[%swap3A_27], %swap3A_30 {strides = array<i32>} : memref<128xi32, #tpu.memory_space<vmem>>, vector<16xi32>,
    %swap3A_31 = arith.constant 112 : index
    %swap3A_32 = tpu.vector_load %arg8[%swap3A_31] {strides = array<i32>} : memref<128xi32, #tpu.memory_space<vmem>>, vector<16xi32>,
    %swap3A_33 = vector.shape_cast %swap3A_32 : vector<16xi32> to vector<16xi32>
    %swap3A_34 = vector.shape_cast %broadcast_in_dim3A_1 : vector<16xi32> to vector<16xi32>
    tpu.vector_store %arg8[%swap3A_31], %swap3A_34 {strides = array<i32>} : memref<128xi32, #tpu.memory_space<vmem>>, vector<16xi32>,
    %swap3A_35 = arith.constant 0 : index
    %swap3A_36 = tpu.vector_load %arg9[%swap3A_35] {strides = array<i32>} : memref<512xi32, #tpu.memory_space<vmem>>, vector<16xi32>,
    %swap3A_37 = vector.shape_cast %swap3A_36 : vector<16xi32> to vector<16xi32>
    %swap3A_38 = vector.shape_cast %broadcast_in_dim3A_3 : vector<16xi32> to vector<16xi32>
    tpu.vector_store %arg9[%swap3A_35], %swap3A_38 {strides = array<i32>} : memref<512xi32, #tpu.memory_space<vmem>>, vector<16xi32>,
    %swap3A_39 = arith.constant 16 : index
    %swap3A_40 = tpu.vector_load %arg9[%swap3A_39] {strides = array<i32>} : memref<512xi32, #tpu.memory_space<vmem>>, vector<16xi32>,
    %swap3A_41 = vector.shape_cast %swap3A_40 : vector<16xi32> to vector<16xi32>
    %swap3A_42 = vector.shape_cast %broadcast_in_dim3A_3 : vector<16xi32> to vector<16xi32>
    tpu.vector_store %arg9[%swap3A_39], %swap3A_42 {strides = array<i32>} : memref<512xi32, #tpu.memory_space<vmem>>, vector<16xi32>,
    %swap3A_43 = arith.constant 32 : index
    %swap3A_44 = tpu.vector_load %arg9[%swap3A_43] {strides = array<i32>} : memref<512xi32, #tpu.memory_space<vmem>>, vector<16xi32>,
    %swap3A_45 = vector.shape_cast %swap3A_44 : vector<16xi32> to vector<16xi32>
    %swap3A_46 = vector.shape_cast %broadcast_in_dim3A_3 : vector<16xi32> to vector<16xi32>
    tpu.vector_store %arg9[%swap3A_43], %swap3A_46 {strides = array<i32>} : memref<512xi32, #tpu.memory_space<vmem>>, vector<16xi32>,
    %swap3A_47 = arith.constant 48 : index
    %swap3A_48 = tpu.vector_load %arg9[%swap3A_47] {strides = array<i32>} : memref<512xi32, #tpu.memory_space<vmem>>, vector<16xi32>,
    %swap3A_49 = vector.shape_cast %swap3A_48 : vector<16xi32> to vector<16xi32>
    %swap3A_50 = vector.shape_cast %broadcast_in_dim3A_3 : vector<16xi32> to vector<16xi32>
    tpu.vector_store %arg9[%swap3A_47], %swap3A_50 {strides = array<i32>} : memref<512xi32, #tpu.memory_space<vmem>>, vector<16xi32>,
    %swap3A_51 = arith.constant 64 : index
    %swap3A_52 = tpu.vector_load %arg9[%swap3A_51] {strides = array<i32>} : memref<512xi32, #tpu.memory_space<vmem>>, vector<16xi32>,
    %swap3A_53 = vector.shape_cast %swap3A_52 : vector<16xi32> to vector<16xi32>
    %swap3A_54 = vector.shape_cast %broadcast_in_dim3A_3 : vector<16xi32> to vector<16xi32>
    tpu.vector_store %arg9[%swap3A_51], %swap3A_54 {strides = array<i32>} : memref<512xi32, #tpu.memory_space<vmem>>, vector<16xi32>,
    %swap3A_55 = arith.constant 80 : index
    %swap3A_56 = tpu.vector_load %arg9[%swap3A_55] {strides = array<i32>} : memref<512xi32, #tpu.memory_space<vmem>>, vector<16xi32>,
    %swap3A_57 = vector.shape_cast %swap3A_56 : vector<16xi32> to vector<16xi32>
    %swap3A_58 = vector.shape_cast %broadcast_in_dim3A_3 : vector<16xi32> to vector<16xi32>
    tpu.vector_store %arg9[%swap3A_55], %swap3A_58 {strides = array<i32>} : memref<512xi32, #tpu.memory_space<vmem>>, vector<16xi32>,
    %swap3A_59 = arith.constant 96 : index
    %swap3A_60 = tpu.vector_load %arg9[%swap3A_59] {strides = array<i32>} : memref<512xi32, #tpu.memory_space<vmem>>, vector<16xi32>,
    %swap3A_61 = vector.shape_cast %swap3A_60 : vector<16xi32> to vector<16xi32>
    %swap3A_62 = vector.shape_cast %broadcast_in_dim3A_3 : vector<16xi32> to vector<16xi32>
    tpu.vector_store %arg9[%swap3A_59], %swap3A_62 {strides = array<i32>} : memref<512xi32, #tpu.memory_space<vmem>>, vector<16xi32>,
    %swap3A_63 = arith.constant 112 : index
    %swap3A_64 = tpu.vector_load %arg9[%swap3A_63] {strides = array<i32>} : memref<512xi32, #tpu.memory_space<vmem>>, vector<16xi32>,
    %swap3A_65 = vector.shape_cast %swap3A_64 : vector<16xi32> to vector<16xi32>
    %swap3A_66 = vector.shape_cast %broadcast_in_dim3A_3 : vector<16xi32> to vector<16xi32>
    tpu.vector_store %arg9[%swap3A_63], %swap3A_66 {strides = array<i32>} : memref<512xi32, #tpu.memory_space<vmem>>, vector<16xi32>,
    %swap3A_67 = arith.constant 128 : index
    %swap3A_68 = tpu.vector_load %arg9[%swap3A_67] {strides = array<i32>} : memref<512xi32, #tpu.memory_space<vmem>>, vector<16xi32>,
    %swap3A_69 = vector.shape_cast %swap3A_68 : vector<16xi32> to vector<16xi32>
    %swap3A_70 = vector.shape_cast %broadcast_in_dim3A_3 : vector<16xi32> to vector<16xi32>
    tpu.vector_store %arg9[%swap3A_67], %swap3A_70 {strides = array<i32>} : memref<512xi32, #tpu.memory_space<vmem>>, vector<16xi32>,
    %swap3A_71 = arith.constant 144 : index
    %swap3A_72 = tpu.vector_load %arg9[%swap3A_71] {strides = array<i32>} : memref<512xi32, #tpu.memory_space<vmem>>, vector<16xi32>,
    %swap3A_73 = vector.shape_cast %swap3A_72 : vector<16xi32> to vector<16xi32>
    %swap3A_74 = vector.shape_cast %broadcast_in_dim3A_3 : vector<16xi32> to vector<16xi32>
    tpu.vector_store %arg9[%swap3A_71], %swap3A_74 {strides = array<i32>} : memref<512xi32, #tpu.memory_space<vmem>>, vector<16xi32>,
    %swap3A_75 = arith.constant 160 : index
    %swap3A_76 = tpu.vector_load %arg9[%swap3A_75] {strides = array<i32>} : memref<512xi32, #tpu.memory_space<vmem>>, vector<16xi32>,
    %swap3A_77 = vector.shape_cast %swap3A_76 : vector<16xi32> to vector<16xi32>
    %swap3A_78 = vector.shape_cast %broadcast_in_dim3A_3 : vector<16xi32> to vector<16xi32>
    tpu.vector_store %arg9[%swap3A_75], %swap3A_78 {strides = array<i32>} : memref<512xi32, #tpu.memory_space<vmem>>, vector<16xi32>,
    %swap3A_79 = arith.constant 176 : index
    %swap3A_80 = tpu.vector_load %arg9[%swap3A_79] {strides = array<i32>} : memref<512xi32, #tpu.memory_space<vmem>>, vector<16xi32>,
    %swap3A_81 = vector.shape_cast %swap3A_80 : vector<16xi32> to vector<16xi32>
    %swap3A_82 = vector.shape_cast %broadcast_in_dim3A_3 : vector<16xi32> to vector<16xi32>
    tpu.vector_store %arg9[%swap3A_79], %swap3A_82 {strides = array<i32>} : memref<512xi32, #tpu.memory_space<vmem>>, vector<16xi32>,
    %swap3A_83 = arith.constant 192 : index
    %swap3A_84 = tpu.vector_load %arg9[%swap3A_83] {strides = array<i32>} : memref<512xi32, #tpu.memory_space<vmem>>, vector<16xi32>,
    %swap3A_85 = vector.shape_cast %swap3A_84 : vector<16xi32> to vector<16xi32>
    %swap3A_86 = vector.shape_cast %broadcast_in_dim3A_3 : vector<16xi32> to vector<16xi32>
    tpu.vector_store %arg9[%swap3A_83], %swap3A_86 {strides = array<i32>} : memref<512xi32, #tpu.memory_space<vmem>>, vector<16xi32>,
    %swap3A_87 = arith.constant 208 : index
    %swap3A_88 = tpu.vector_load %arg9[%swap3A_87] {strides = array<i32>} : memref<512xi32, #tpu.memory_space<vmem>>, vector<16xi32>,
    %swap3A_89 = vector.shape_cast %swap3A_88 : vector<16xi32> to vector<16xi32>
    %swap3A_90 = vector.shape_cast %broadcast_in_dim3A_3 : vector<16xi32> to vector<16xi32>
    tpu.vector_store %arg9[%swap3A_87], %swap3A_90 {strides = array<i32>} : memref<512xi32, #tpu.memory_space<vmem>>, vector<16xi32>,
    %swap3A_91 = arith.constant 224 : index
    %swap3A_92 = tpu.vector_load %arg9[%swap3A_91] {strides = array<i32>} : memref<512xi32, #tpu.memory_space<vmem>>, vector<16xi32>,
    %swap3A_93 = vector.shape_cast %swap3A_92 : vector<16xi32> to vector<16xi32>
    %swap3A_94 = vector.shape_cast %broadcast_in_dim3A_3 : vector<16xi32> to vector<16xi32>
    tpu.vector_store %arg9[%swap3A_91], %swap3A_94 {strides = array<i32>} : memref<512xi32, #tpu.memory_space<vmem>>, vector<16xi32>,
    %swap3A_95 = arith.constant 240 : index
    %swap3A_96 = tpu.vector_load %arg9[%swap3A_95] {strides = array<i32>} : memref<512xi32, #tpu.memory_space<vmem>>, vector<16xi32>,
    %swap3A_97 = vector.shape_cast %swap3A_96 : vector<16xi32> to vector<16xi32>
    %swap3A_98 = vector.shape_cast %broadcast_in_dim3A_3 : vector<16xi32> to vector<16xi32>
    tpu.vector_store %arg9[%swap3A_95], %swap3A_98 {strides = array<i32>} : memref<512xi32, #tpu.memory_space<vmem>>, vector<16xi32>,
    %swap3A_99 = arith.constant 256 : index
    %swap3A_100 = tpu.vector_load %arg9[%swap3A_99] {strides = array<i32>} : memref<512xi32, #tpu.memory_space<vmem>>, vector<16xi32>,
    %swap3A_101 = vector.shape_cast %swap3A_100 : vector<16xi32> to vector<16xi32>
    %swap3A_102 = vector.shape_cast %broadcast_in_dim3A_3 : vector<16xi32> to vector<16xi32>
    tpu.vector_store %arg9[%swap3A_99], %swap3A_102 {strides = array<i32>} : memref<512xi32, #tpu.memory_space<vmem>>, vector<16xi32>,
    %swap3A_103 = arith.constant 272 : index
    %swap3A_104 = tpu.vector_load %arg9[%swap3A_103] {strides = array<i32>} : memref<512xi32, #tpu.memory_space<vmem>>, vector<16xi32>,
    %swap3A_105 = vector.shape_cast %swap3A_104 : vector<16xi32> to vector<16xi32>
    %swap3A_106 = vector.shape_cast %broadcast_in_dim3A_3 : vector<16xi32> to vector<16xi32>
    tpu.vector_store %arg9[%swap3A_103], %swap3A_106 {strides = array<i32>} : memref<512xi32, #tpu.memory_space<vmem>>, vector<16xi32>,
    %swap3A_107 = arith.constant 288 : index
    %swap3A_108 = tpu.vector_load %arg9[%swap3A_107] {strides = array<i32>} : memref<512xi32, #tpu.memory_space<vmem>>, vector<16xi32>,
    %swap3A_109 = vector.shape_cast %swap3A_108 : vector<16xi32> to vector<16xi32>
    %swap3A_110 = vector.shape_cast %broadcast_in_dim3A_3 : vector<16xi32> to vector<16xi32>
    tpu.vector_store %arg9[%swap3A_107], %swap3A_110 {strides = array<i32>} : memref<512xi32, #tpu.memory_space<vmem>>, vector<16xi32>,
    %swap3A_111 = arith.constant 304 : index
    %swap3A_112 = tpu.vector_load %arg9[%swap3A_111] {strides = array<i32>} : memref<512xi32, #tpu.memory_space<vmem>>, vector<16xi32>,
    %swap3A_113 = vector.shape_cast %swap3A_112 : vector<16xi32> to vector<16xi32>
    %swap3A_114 = vector.shape_cast %broadcast_in_dim3A_3 : vector<16xi32> to vector<16xi32>
    tpu.vector_store %arg9[%swap3A_111], %swap3A_114 {strides = array<i32>} : memref<512xi32, #tpu.memory_space<vmem>>, vector<16xi32>,
    %swap3A_115 = arith.constant 320 : index
    %swap3A_116 = tpu.vector_load %arg9[%swap3A_115] {strides = array<i32>} : memref<512xi32, #tpu.memory_space<vmem>>, vector<16xi32>,
    %swap3A_117 = vector.shape_cast %swap3A_116 : vector<16xi32> to vector<16xi32>
    %swap3A_118 = vector.shape_cast %broadcast_in_dim3A_3 : vector<16xi32> to vector<16xi32>
    tpu.vector_store %arg9[%swap3A_115], %swap3A_118 {strides = array<i32>} : memref<512xi32, #tpu.memory_space<vmem>>, vector<16xi32>,
    %swap3A_119 = arith.constant 336 : index
    %swap3A_120 = tpu.vector_load %arg9[%swap3A_119] {strides = array<i32>} : memref<512xi32, #tpu.memory_space<vmem>>, vector<16xi32>,
    %swap3A_121 = vector.shape_cast %swap3A_120 : vector<16xi32> to vector<16xi32>
    %swap3A_122 = vector.shape_cast %broadcast_in_dim3A_3 : vector<16xi32> to vector<16xi32>
    tpu.vector_store %arg9[%swap3A_119], %swap3A_122 {strides = array<i32>} : memref<512xi32, #tpu.memory_space<vmem>>, vector<16xi32>,
    %swap3A_123 = arith.constant 352 : index
    %swap3A_124 = tpu.vector_load %arg9[%swap3A_123] {strides = array<i32>} : memref<512xi32, #tpu.memory_space<vmem>>, vector<16xi32>,
    %swap3A_125 = vector.shape_cast %swap3A_124 : vector<16xi32> to vector<16xi32>
    %swap3A_126 = vector.shape_cast %broadcast_in_dim3A_3 : vector<16xi32> to vector<16xi32>
    tpu.vector_store %arg9[%swap3A_123], %swap3A_126 {strides = array<i32>} : memref<512xi32, #tpu.memory_space<vmem>>, vector<16xi32>,
    %swap3A_127 = arith.constant 368 : index
    %swap3A_128 = tpu.vector_load %arg9[%swap3A_127] {strides = array<i32>} : memref<512xi32, #tpu.memory_space<vmem>>, vector<16xi32>,
    %swap3A_129 = vector.shape_cast %swap3A_128 : vector<16xi32> to vector<16xi32>
    %swap3A_130 = vector.shape_cast %broadcast_in_dim3A_3 : vector<16xi32> to vector<16xi32>
    tpu.vector_store %arg9[%swap3A_127], %swap3A_130 {strides = array<i32>} : memref<512xi32, #tpu.memory_space<vmem>>, vector<16xi32>,
    %swap3A_131 = arith.constant 384 : index
    %swap3A_132 = tpu.vector_load %arg9[%swap3A_131] {strides = array<i32>} : memref<512xi32, #tpu.memory_space<vmem>>, vector<16xi32>,
    %swap3A_133 = vector.shape_cast %swap3A_132 : vector<16xi32> to vector<16xi32>
    %swap3A_134 = vector.shape_cast %broadcast_in_dim3A_3 : vector<16xi32> to vector<16xi32>
    tpu.vector_store %arg9[%swap3A_131], %swap3A_134 {strides = array<i32>} : memref<512xi32, #tpu.memory_space<vmem>>, vector<16xi32>,
    %swap3A_135 = arith.constant 400 : index
    %swap3A_136 = tpu.vector_load %arg9[%swap3A_135] {strides = array<i32>} : memref<512xi32, #tpu.memory_space<vmem>>, vector<16xi32>,
    %swap3A_137 = vector.shape_cast %swap3A_136 : vector<16xi32> to vector<16xi32>
    %swap3A_138 = vector.shape_cast %broadcast_in_dim3A_3 : vector<16xi32> to vector<16xi32>
    tpu.vector_store %arg9[%swap3A_135], %swap3A_138 {strides = array<i32>} : memref<512xi32, #tpu.memory_space<vmem>>, vector<16xi32>,
    %swap3A_139 = arith.constant 416 : index
    %swap3A_140 = tpu.vector_load %arg9[%swap3A_139] {strides = array<i32>} : memref<512xi32, #tpu.memory_space<vmem>>, vector<16xi32>,
    %swap3A_141 = vector.shape_cast %swap3A_140 : vector<16xi32> to vector<16xi32>
    %swap3A_142 = vector.shape_cast %broadcast_in_dim3A_3 : vector<16xi32> to vector<16xi32>
    tpu.vector_store %arg9[%swap3A_139], %swap3A_142 {strides = array<i32>} : memref<512xi32, #tpu.memory_space<vmem>>, vector<16xi32>,
    %swap3A_143 = arith.constant 432 : index
    %swap3A_144 = tpu.vector_load %arg9[%swap3A_143] {strides = array<i32>} : memref<512xi32, #tpu.memory_space<vmem>>, vector<16xi32>,
    %swap3A_145 = vector.shape_cast %swap3A_144 : vector<16xi32> to vector<16xi32>
    %swap3A_146 = vector.shape_cast %broadcast_in_dim3A_3 : vector<16xi32> to vector<16xi32>
    tpu.vector_store %arg9[%swap3A_143], %swap3A_146 {strides = array<i32>} : memref<512xi32, #tpu.memory_space<vmem>>, vector<16xi32>,
    %swap3A_147 = arith.constant 448 : index
    %swap3A_148 = tpu.vector_load %arg9[%swap3A_147] {strides = array<i32>} : memref<512xi32, #tpu.memory_space<vmem>>, vector<16xi32>,
    %swap3A_149 = vector.shape_cast %swap3A_148 : vector<16xi32> to vector<16xi32>
    %swap3A_150 = vector.shape_cast %broadcast_in_dim3A_3 : vector<16xi32> to vector<16xi32>
    tpu.vector_store %arg9[%swap3A_147], %swap3A_150 {strides = array<i32>} : memref<512xi32, #tpu.memory_space<vmem>>, vector<16xi32>,
    %swap3A_151 = arith.constant 464 : index
    %swap3A_152 = tpu.vector_load %arg9[%swap3A_151] {strides = array<i32>} : memref<512xi32, #tpu.memory_space<vmem>>, vector<16xi32>,
    %swap3A_153 = vector.shape_cast %swap3A_152 : vector<16xi32> to vector<16xi32>
    %swap3A_154 = vector.shape_cast %broadcast_in_dim3A_3 : vector<16xi32> to vector<16xi32>
    tpu.vector_store %arg9[%swap3A_151], %swap3A_154 {strides = array<i32>} : memref<512xi32, #tpu.memory_space<vmem>>, vector<16xi32>,
    %swap3A_155 = arith.constant 480 : index
    %swap3A_156 = tpu.vector_load %arg9[%swap3A_155] {strides = array<i32>} : memref<512xi32, #tpu.memory_space<vmem>>, vector<16xi32>,
    %swap3A_157 = vector.shape_cast %swap3A_156 : vector<16xi32> to vector<16xi32>
    %swap3A_158 = vector.shape_cast %broadcast_in_dim3A_3 : vector<16xi32> to vector<16xi32>
    tpu.vector_store %arg9[%swap3A_155], %swap3A_158 {strides = array<i32>} : memref<512xi32, #tpu.memory_space<vmem>>, vector<16xi32>,
    %swap3A_159 = arith.constant 496 : index
    %swap3A_160 = tpu.vector_load %arg9[%swap3A_159] {strides = array<i32>} : memref<512xi32, #tpu.memory_space<vmem>>, vector<16xi32>,
    %swap3A_161 = vector.shape_cast %swap3A_160 : vector<16xi32> to vector<16xi32>
    %swap3A_162 = vector.shape_cast %broadcast_in_dim3A_3 : vector<16xi32> to vector<16xi32>
    tpu.vector_store %arg9[%swap3A_159], %swap3A_162 {strides = array<i32>} : memref<512xi32, #tpu.memory_space<vmem>>, vector<16xi32>,
    %mul3A_163 = arith.constant 512 : i32
    %mul3A_164 = arith.muli %arg1, %mul3A_163 : i32
    "tpu.region"() ({
      %run_scoped3A = tpu.sem_alloc : memref<!tpu.dma_semaphore, #tpu.memory_space<semaphore_mem>>
      %dma_start3A = tpu.memref_slice %arg10[%mul3A_164] : memref<8192xi32, #tpu.memory_space<vmem_shared>> -> memref<512xi32, #tpu.memory_space<vmem_shared>>
      %dma_start3A_199 = tpu.memref_slice %arg10[%mul3A_164] : memref<8192xi32, #tpu.memory_space<vmem_shared>> -> memref<512xi32, #tpu.memory_space<vmem_shared>>
      tpu.enqueue_dma source(%arg9 : memref<512xi32, #tpu.memory_space<vmem>>) target(%dma_start3A_199 : memref<512xi32, #tpu.memory_space<vmem_shared>>) target_semaphore(%run_scoped3A : memref<!tpu.dma_semaphore, #tpu.memory_space<semaphore_mem>>)
      %dma_wait3A_200 = tpu.memref_slice %arg10[%mul3A_164] : memref<8192xi32, #tpu.memory_space<vmem_shared>> -> memref<512xi32, #tpu.memory_space<vmem_shared>>
      %dma_wait3A_201 = tpu.memref_slice %arg10[%mul3A_164] : memref<8192xi32, #tpu.memory_space<vmem_shared>> -> memref<512xi32, #tpu.memory_space<vmem_shared>>
      tpu.wait_dma2 semaphore(%run_scoped3A : memref<!tpu.dma_semaphore, #tpu.memory_space<semaphore_mem>>) src(%arg9 : memref<512xi32, #tpu.memory_space<vmem>>) dst(%dma_wait3A_201 : memref<512xi32, #tpu.memory_space<vmem_shared>>)
      tpu.yield
    }) : () -> ()
    %barrier3A = arith.constant 0 : index
    tpu.barrier barrier_id(%barrier3A)
    %scan3A = arith.constant 0 : i32
    %scan3A_165 = arith.constant 0 : i32
    %scan3A_166 = arith.constant 6 : i32
    %scan3A_167 = arith.addi %scan3A_165, %scan3A_166 : i32
    %scan3A_168 = arith.constant 1 : i32
    scf.for %scan3A_199 = %scan3A_165 to %scan3A_167 step %scan3A_168  : i32 {
      %dma_start3A = arith.constant 0 : i32
      %dma_start3A_200 = tpu.memref_slice %arg6[%scan3A_199, %dma_start3A] : memref<6x128xi32, #tpu.memory_space<vmem>> -> memref<1x128xi32, #tpu.memory_space<vmem>>
      %dma_start3A_201 = tpu.memref_squeeze %dma_start3A_200 : memref<1x128xi32, #tpu.memory_space<vmem>> -> memref<128xi32, #tpu.memory_space<vmem>>
      %dma_start3A_202 = arith.constant 0 : i32
      %dma_start3A_203 = tpu.memref_slice %arg10[%dma_start3A_202] : memref<8192xi32, #tpu.memory_space<vmem_shared>> -> memref<8192xi32, #tpu.memory_space<vmem_shared>>
      tpu.enqueue_indirect_dma source(%arg8 : memref<128xi32, #tpu.memory_space<vmem>>) target(%dma_start3A_203 : memref<8192xi32, #tpu.memory_space<vmem_shared>>) offsets(%dma_start3A_201 : memref<128xi32, #tpu.memory_space<vmem>>) semaphore(%arg13 : memref<!tpu.dma_semaphore, #tpu.memory_space<semaphore_mem>>) {add = true}
    }
    %scan3A_169 = arith.constant 6 : i32
    %scan3A_170 = arith.constant 0 : i32
    %scan3A_171 = arith.constant 0 : i32
    %scan3A_172 = arith.constant 6 : i32
    %scan3A_173 = arith.addi %scan3A_171, %scan3A_172 : i32
    %scan3A_174 = arith.constant 1 : i32
    scf.for %scan3A_199 = %scan3A_171 to %scan3A_173 step %scan3A_174  : i32 {
      %dma_start3A = arith.constant 0 : i32
      %dma_start3A_200 = arith.constant 0 : i32
      %dma_start3A_201 = tpu.memref_slice %arg7[%scan3A_199, %dma_start3A, %dma_start3A_200] : memref<6x128x64xf32, #tpu.memory_space<vmem>> -> memref<1x128x64xf32, #tpu.memory_space<vmem>>
      %dma_start3A_202 = tpu.memref_squeeze %dma_start3A_201 : memref<1x128x64xf32, #tpu.memory_space<vmem>> -> memref<128x64xf32, #tpu.memory_space<vmem>>
      %dma_start3A_203 = arith.constant 0 : i32
      %dma_start3A_204 = tpu.memref_slice %arg6[%scan3A_199, %dma_start3A_203] : memref<6x128xi32, #tpu.memory_space<vmem>> -> memref<1x128xi32, #tpu.memory_space<vmem>>
      %dma_start3A_205 = tpu.memref_squeeze %dma_start3A_204 : memref<1x128xi32, #tpu.memory_space<vmem>> -> memref<128xi32, #tpu.memory_space<vmem>>
      %dma_start3A_206 = arith.constant 0 : i32
      %dma_start3A_207 = arith.constant 0 : i32
      %dma_start3A_208 = tpu.memref_slice %arg3[%dma_start3A_206, %dma_start3A_207] : memref<8192x64xf32, #tpu.memory_space<hbm>> -> memref<8192x64xf32, #tpu.memory_space<hbm>>
      tpu.enqueue_indirect_dma source(%dma_start3A_208 : memref<8192x64xf32, #tpu.memory_space<hbm>>) target(%dma_start3A_202 : memref<128x64xf32, #tpu.memory_space<vmem>>) offsets(%dma_start3A_205 : memref<128xi32, #tpu.memory_space<vmem>>) semaphore(%arg11 : memref<!tpu.dma_semaphore, #tpu.memory_space<semaphore_mem>>)
    }
    %scan3A_175 = arith.constant 6 : i32
    %scan3A_176 = arith.constant 0 : i32
    %scan3A_177 = arith.constant 0 : i32
    %scan3A_178 = arith.constant 6 : i32
    %scan3A_179 = arith.addi %scan3A_177, %scan3A_178 : i32
    %scan3A_180 = arith.constant 1 : i32
    scf.for %scan3A_199 = %scan3A_177 to %scan3A_179 step %scan3A_180  : i32 {
      %dma_wait3A_200 = arith.constant 0 : i32
      %dma_wait3A_201 = arith.constant 0 : i32
      %dma_wait3A_202 = tpu.memref_slice %arg7[%scan3A_199, %dma_wait3A_200, %dma_wait3A_201] : memref<6x128x64xf32, #tpu.memory_space<vmem>> -> memref<1x128x64xf32, #tpu.memory_space<vmem>>
      %dma_wait3A_203 = tpu.memref_squeeze %dma_wait3A_202 : memref<1x128x64xf32, #tpu.memory_space<vmem>> -> memref<128x64xf32, #tpu.memory_space<vmem>>
      %dma_wait3A_204 = arith.constant 0 : i32
      %dma_wait3A_205 = arith.constant 0 : i32
      %dma_wait3A_206 = tpu.memref_slice %arg3[%dma_wait3A_204, %dma_wait3A_205] : memref<8192x64xf32, #tpu.memory_space<hbm>> -> memref<128x64xf32, #tpu.memory_space<hbm>>
      %dma_wait3A_207 = arith.constant 0 : i32
      %dma_wait3A_208 = arith.constant 0 : i32
      %dma_wait3A_209 = tpu.memref_slice %arg7[%scan3A_199, %dma_wait3A_207, %dma_wait3A_208] : memref<6x128x64xf32, #tpu.memory_space<vmem>> -> memref<1x128x64xf32, #tpu.memory_space<vmem>>
      %dma_wait3A_210 = tpu.memref_squeeze %dma_wait3A_209 : memref<1x128x64xf32, #tpu.memory_space<vmem>> -> memref<128x64xf32, #tpu.memory_space<vmem>>
      %dma_wait3A_211 = arith.constant 0 : i32
      %dma_wait3A_212 = arith.constant 0 : i32
      %dma_wait3A_213 = tpu.memref_slice %arg3[%dma_wait3A_211, %dma_wait3A_212] : memref<8192x64xf32, #tpu.memory_space<hbm>> -> memref<128x64xf32, #tpu.memory_space<hbm>>
      tpu.wait_dma2 semaphore(%arg11 : memref<!tpu.dma_semaphore, #tpu.memory_space<semaphore_mem>>) src(%dma_wait3A_213 : memref<128x64xf32, #tpu.memory_space<hbm>>) dst(%dma_wait3A_210 : memref<128x64xf32, #tpu.memory_space<vmem>>)
      %mul3A_214 = arith.constant 6 : i32
      %mul3A_215 = arith.muli %add3A, %mul3A_214 : i32
      %add3A_216 = arith.addi %mul3A_215, %scan3A_199 : i32
      %dma_start3A = arith.constant 0 : i32
      %dma_start3A_217 = arith.constant 0 : i32
      %dma_start3A_218 = tpu.memref_slice %arg7[%scan3A_199, %dma_start3A, %dma_start3A_217] : memref<6x128x64xf32, #tpu.memory_space<vmem>> -> memref<1x128x64xf32, #tpu.memory_space<vmem>>
      %dma_start3A_219 = tpu.memref_squeeze %dma_start3A_218 : memref<1x128x64xf32, #tpu.memory_space<vmem>> -> memref<128x64xf32, #tpu.memory_space<vmem>>
      %dma_start3A_220 = arith.constant 0 : i32
      %dma_start3A_221 = arith.constant 0 : i32
      %dma_start3A_222 = tpu.memref_slice %arg4[%add3A_216, %dma_start3A_220, %dma_start3A_221] : memref<192x128x64xf32, #tpu.memory_space<hbm>> -> memref<1x128x64xf32, #tpu.memory_space<hbm>>
      %dma_start3A_223 = tpu.memref_squeeze %dma_start3A_222 : memref<1x128x64xf32, #tpu.memory_space<hbm>> -> memref<128x64xf32, #tpu.memory_space<hbm>>
      %dma_start3A_224 = arith.constant 0 : i32
      %dma_start3A_225 = arith.constant 0 : i32
      %dma_start3A_226 = tpu.memref_slice %arg4[%add3A_216, %dma_start3A_224, %dma_start3A_225] : memref<192x128x64xf32, #tpu.memory_space<hbm>> -> memref<1x128x64xf32, #tpu.memory_space<hbm>>
      %dma_start3A_227 = tpu.memref_squeeze %dma_start3A_226 : memref<1x128x64xf32, #tpu.memory_space<hbm>> -> memref<128x64xf32, #tpu.memory_space<hbm>>
      %dma_start3A_228 = arith.constant 0 : i32
      %dma_start3A_229 = arith.constant 0 : i32
      %dma_start3A_230 = tpu.memref_slice %arg7[%scan3A_199, %dma_start3A_228, %dma_start3A_229] : memref<6x128x64xf32, #tpu.memory_space<vmem>> -> memref<1x128x64xf32, #tpu.memory_space<vmem>>
      %dma_start3A_231 = tpu.memref_squeeze %dma_start3A_230 : memref<1x128x64xf32, #tpu.memory_space<vmem>> -> memref<128x64xf32, #tpu.memory_space<vmem>>
      tpu.enqueue_dma source(%dma_start3A_231 : memref<128x64xf32, #tpu.memory_space<vmem>>) target(%dma_start3A_227 : memref<128x64xf32, #tpu.memory_space<hbm>>) target_semaphore(%arg12 : memref<!tpu.dma_semaphore, #tpu.memory_space<semaphore_mem>>)
    }
    %scan3A_181 = arith.constant 6 : i32
    %scan3A_182 = arith.constant 0 : i32
    %scan3A_183 = arith.constant 0 : i32
    %scan3A_184 = arith.constant 6 : i32
    %scan3A_185 = arith.addi %scan3A_183, %scan3A_184 : i32
    %scan3A_186 = arith.constant 1 : i32
    scf.for %scan3A_199 = %scan3A_183 to %scan3A_185 step %scan3A_186  : i32 {
      %dma_wait3A_200 = arith.constant 0 : i32
      %dma_wait3A_201 = arith.constant 0 : i32
      %dma_wait3A_202 = arith.constant 0 : i32
      %dma_wait3A_203 = tpu.memref_slice %arg7[%dma_wait3A_200, %dma_wait3A_201, %dma_wait3A_202] : memref<6x128x64xf32, #tpu.memory_space<vmem>> -> memref<1x128x64xf32, #tpu.memory_space<vmem>>
      %dma_wait3A_204 = tpu.memref_squeeze %dma_wait3A_203 : memref<1x128x64xf32, #tpu.memory_space<vmem>> -> memref<128x64xf32, #tpu.memory_space<vmem>>
      %dma_wait3A_205 = arith.constant 0 : i32
      %dma_wait3A_206 = arith.constant 0 : i32
      %dma_wait3A_207 = tpu.memref_slice %arg3[%dma_wait3A_205, %dma_wait3A_206] : memref<8192x64xf32, #tpu.memory_space<hbm>> -> memref<128x64xf32, #tpu.memory_space<hbm>>
      %dma_wait3A_208 = arith.constant 0 : i32
      %dma_wait3A_209 = arith.constant 0 : i32
      %dma_wait3A_210 = tpu.memref_slice %arg7[%dma_wait3A_200, %dma_wait3A_208, %dma_wait3A_209] : memref<6x128x64xf32, #tpu.memory_space<vmem>> -> memref<1x128x64xf32, #tpu.memory_space<vmem>>
      %dma_wait3A_211 = tpu.memref_squeeze %dma_wait3A_210 : memref<1x128x64xf32, #tpu.memory_space<vmem>> -> memref<128x64xf32, #tpu.memory_space<vmem>>
      %dma_wait3A_212 = arith.constant 0 : i32
      %dma_wait3A_213 = arith.constant 0 : i32
      %dma_wait3A_214 = tpu.memref_slice %arg3[%dma_wait3A_212, %dma_wait3A_213] : memref<8192x64xf32, #tpu.memory_space<hbm>> -> memref<128x64xf32, #tpu.memory_space<hbm>>
      tpu.wait_dma2 semaphore(%arg12 : memref<!tpu.dma_semaphore, #tpu.memory_space<semaphore_mem>>) src(%dma_wait3A_214 : memref<128x64xf32, #tpu.memory_space<hbm>>) dst(%dma_wait3A_211 : memref<128x64xf32, #tpu.memory_space<vmem>>)
    }
    %scan3A_187 = arith.constant 6 : i32
    %dma_wait3A = arith.constant 0 : i32
    %dma_wait3A_188 = arith.constant 0 : i32
    %dma_wait3A_189 = arith.constant 0 : i32
    %dma_wait3A_190 = tpu.memref_slice %arg2[%dma_wait3A, %dma_wait3A_188, %dma_wait3A_189] : memref<32x6x128xi32, #tpu.memory_space<hbm>> -> memref<1x6x128xi32, #tpu.memory_space<hbm>>
    %dma_wait3A_191 = tpu.memref_squeeze %dma_wait3A_190 : memref<1x6x128xi32, #tpu.memory_space<hbm>> -> memref<6x128xi32, #tpu.memory_space<hbm>>
    %dma_wait3A_192 = arith.constant 0 : i32
    %dma_wait3A_193 = arith.constant 0 : i32
    %dma_wait3A_194 = tpu.memref_slice %arg2[%dma_wait3A, %dma_wait3A_192, %dma_wait3A_193] : memref<32x6x128xi32, #tpu.memory_space<hbm>> -> memref<1x6x128xi32, #tpu.memory_space<hbm>>
    %dma_wait3A_195 = tpu.memref_squeeze %dma_wait3A_194 : memref<1x6x128xi32, #tpu.memory_space<hbm>> -> memref<6x128xi32, #tpu.memory_space<hbm>>
    tpu.wait_dma2 semaphore(%arg13 : memref<!tpu.dma_semaphore, #tpu.memory_space<semaphore_mem>>) src(%dma_wait3A_195 : memref<6x128xi32, #tpu.memory_space<hbm>>) dst(%arg6 : memref<6x128xi32, #tpu.memory_space<vmem>>)
    %barrier3A_196 = arith.constant 0 : index
    tpu.barrier barrier_id(%barrier3A_196)
    %mul3A_197 = arith.constant 512 : i32
    %mul3A_198 = arith.muli %arg1, %mul3A_197 : i32
    "tpu.region"() ({
      %run_scoped3A = tpu.sem_alloc : memref<!tpu.dma_semaphore, #tpu.memory_space<semaphore_mem>>
      %dma_start3A = arith.constant 0 : i32
      %dma_start3A_199 = tpu.memref_slice %arg5[%arg0, %dma_start3A] : memref<2x8192xi32, #tpu.memory_space<hbm>> -> memref<1x8192xi32, #tpu.memory_space<hbm>>
      %dma_start3A_200 = tpu.memref_squeeze %dma_start3A_199 : memref<1x8192xi32, #tpu.memory_space<hbm>> -> memref<8192xi32, #tpu.memory_space<hbm>>
      %dma_start3A_201 = tpu.memref_slice %dma_start3A_200[%mul3A_198] : memref<8192xi32, #tpu.memory_space<hbm>> -> memref<512xi32, #tpu.memory_space<hbm>>
      %dma_start3A_202 = tpu.memref_slice %arg10[%mul3A_198] : memref<8192xi32, #tpu.memory_space<vmem_shared>> -> memref<512xi32, #tpu.memory_space<vmem_shared>>
      tpu.enqueue_dma source(%dma_start3A_202 : memref<512xi32, #tpu.memory_space<vmem_shared>>) target(%dma_start3A_201 : memref<512xi32, #tpu.memory_space<hbm>>) target_semaphore(%run_scoped3A : memref<!tpu.dma_semaphore, #tpu.memory_space<semaphore_mem>>)
      %dma_wait3A_203 = arith.constant 0 : i32
      %dma_wait3A_204 = tpu.memref_slice %arg5[%arg0, %dma_wait3A_203] : memref<2x8192xi32, #tpu.memory_space<hbm>> -> memref<1x8192xi32, #tpu.memory_space<hbm>>
      %dma_wait3A_205 = tpu.memref_squeeze %dma_wait3A_204 : memref<1x8192xi32, #tpu.memory_space<hbm>> -> memref<8192xi32, #tpu.memory_space<hbm>>
      %dma_wait3A_206 = tpu.memref_slice %dma_wait3A_205[%mul3A_198] : memref<8192xi32, #tpu.memory_space<hbm>> -> memref<512xi32, #tpu.memory_space<hbm>>
      %dma_wait3A_207 = tpu.memref_slice %arg10[%mul3A_198] : memref<8192xi32, #tpu.memory_space<vmem_shared>> -> memref<512xi32, #tpu.memory_space<vmem_shared>>
      tpu.wait_dma2 semaphore(%run_scoped3A : memref<!tpu.dma_semaphore, #tpu.memory_space<semaphore_mem>>) src(%dma_wait3A_207 : memref<512xi32, #tpu.memory_space<vmem_shared>>) dst(%dma_wait3A_206 : memref<512xi32, #tpu.memory_space<hbm>>)
      tpu.yield
    }) : () -> ()
    return
  }
}

module attributes {stable_mosaic.version = 14 : i64} {
  func.func @_tc_body_a(%arg0: i32, %arg1: memref<4096x128xf32, #tpu.memory_space<vmem>>, %arg2: memref<8x64x1024xf32, #tpu.memory_space<vmem>>) attributes {dimension_semantics = [#tpu.dimension_semantics<arbitrary>], iteration_bounds = array<i64: 5>, scalar_prefetch = 0 : i64, scratch_operands = 0 : i64, tpu.core_type = #tpu.core_type<tc>, window_params = [{transform_indices = @transform_0, window_bounds = array<i64: 4096, 128>}, {transform_indices = @transform_1, window_bounds = array<i64: 8, 64, 1024>}]} {
    %get3A = arith.constant 0 : index
    %get3A_0 = arith.constant 0 : index
    %get3A_1 = vector.load %arg1[%get3A, %get3A_0] : memref<4096x128xf32, #tpu.memory_space<vmem>>, vector<512x128xf32>
    %slice3A = vector.extract_strided_slice %get3A_1 {offsets = [0, 0], sizes = [512, 64], strides = [1, 1]} : vector<512x128xf32> to vector<512x64xf32>
    %transpose3A = tpu.transpose %slice3A, [1, 0] : vector<512x64xf32> -> vector<64x512xf32>
    %slice3A_2 = vector.extract_strided_slice %get3A_1 {offsets = [0, 64], sizes = [512, 64], strides = [1, 1]} : vector<512x128xf32> to vector<512x64xf32>
    %transpose3A_3 = tpu.transpose %slice3A_2, [1, 0] : vector<512x64xf32> -> vector<64x512xf32>
    %concatenate3A = tpu.concatenate %transpose3A, %transpose3A_3 in 1 : vector<64x512xf32>, vector<64x512xf32> -> vector<64x1024xf32>
    %swap3A = arith.constant 0 : index
    %swap3A_4 = arith.constant 0 : index
    %swap3A_5 = arith.constant 0 : index
    %swap3A_6 = vector.load %arg2[%swap3A, %swap3A_4, %swap3A_5] : memref<8x64x1024xf32, #tpu.memory_space<vmem>>, vector<1x64x1024xf32>
    %swap3A_7 = vector.shape_cast %swap3A_6 : vector<1x64x1024xf32> to vector<64x1024xf32>
    %swap3A_8 = vector.shape_cast %concatenate3A : vector<64x1024xf32> to vector<1x64x1024xf32>
    tpu.vector_store %arg2[%swap3A, %swap3A_4, %swap3A_5], %swap3A_8 {strides = array<i32>} : memref<8x64x1024xf32, #tpu.memory_space<vmem>>, vector<1x64x1024xf32>,
    %get3A_9 = arith.constant 512 : index
    %get3A_10 = arith.constant 0 : index
    %get3A_11 = vector.load %arg1[%get3A_9, %get3A_10] : memref<4096x128xf32, #tpu.memory_space<vmem>>, vector<512x128xf32>
    %slice3A_12 = vector.extract_strided_slice %get3A_11 {offsets = [0, 0], sizes = [512, 64], strides = [1, 1]} : vector<512x128xf32> to vector<512x64xf32>
    %transpose3A_13 = tpu.transpose %slice3A_12, [1, 0] : vector<512x64xf32> -> vector<64x512xf32>
    %slice3A_14 = vector.extract_strided_slice %get3A_11 {offsets = [0, 64], sizes = [512, 64], strides = [1, 1]} : vector<512x128xf32> to vector<512x64xf32>
    %transpose3A_15 = tpu.transpose %slice3A_14, [1, 0] : vector<512x64xf32> -> vector<64x512xf32>
    %concatenate3A_16 = tpu.concatenate %transpose3A_13, %transpose3A_15 in 1 : vector<64x512xf32>, vector<64x512xf32> -> vector<64x1024xf32>
    %swap3A_17 = arith.constant 1 : index
    %swap3A_18 = arith.constant 0 : index
    %swap3A_19 = arith.constant 0 : index
    %swap3A_20 = vector.load %arg2[%swap3A_17, %swap3A_18, %swap3A_19] : memref<8x64x1024xf32, #tpu.memory_space<vmem>>, vector<1x64x1024xf32>
    %swap3A_21 = vector.shape_cast %swap3A_20 : vector<1x64x1024xf32> to vector<64x1024xf32>
    %swap3A_22 = vector.shape_cast %concatenate3A_16 : vector<64x1024xf32> to vector<1x64x1024xf32>
    tpu.vector_store %arg2[%swap3A_17, %swap3A_18, %swap3A_19], %swap3A_22 {strides = array<i32>} : memref<8x64x1024xf32, #tpu.memory_space<vmem>>, vector<1x64x1024xf32>,
    %get3A_23 = arith.constant 1024 : index
    %get3A_24 = arith.constant 0 : index
    %get3A_25 = vector.load %arg1[%get3A_23, %get3A_24] : memref<4096x128xf32, #tpu.memory_space<vmem>>, vector<512x128xf32>
    %slice3A_26 = vector.extract_strided_slice %get3A_25 {offsets = [0, 0], sizes = [512, 64], strides = [1, 1]} : vector<512x128xf32> to vector<512x64xf32>
    %transpose3A_27 = tpu.transpose %slice3A_26, [1, 0] : vector<512x64xf32> -> vector<64x512xf32>
    %slice3A_28 = vector.extract_strided_slice %get3A_25 {offsets = [0, 64], sizes = [512, 64], strides = [1, 1]} : vector<512x128xf32> to vector<512x64xf32>
    %transpose3A_29 = tpu.transpose %slice3A_28, [1, 0] : vector<512x64xf32> -> vector<64x512xf32>
    %concatenate3A_30 = tpu.concatenate %transpose3A_27, %transpose3A_29 in 1 : vector<64x512xf32>, vector<64x512xf32> -> vector<64x1024xf32>
    %swap3A_31 = arith.constant 2 : index
    %swap3A_32 = arith.constant 0 : index
    %swap3A_33 = arith.constant 0 : index
    %swap3A_34 = vector.load %arg2[%swap3A_31, %swap3A_32, %swap3A_33] : memref<8x64x1024xf32, #tpu.memory_space<vmem>>, vector<1x64x1024xf32>
    %swap3A_35 = vector.shape_cast %swap3A_34 : vector<1x64x1024xf32> to vector<64x1024xf32>
    %swap3A_36 = vector.shape_cast %concatenate3A_30 : vector<64x1024xf32> to vector<1x64x1024xf32>
    tpu.vector_store %arg2[%swap3A_31, %swap3A_32, %swap3A_33], %swap3A_36 {strides = array<i32>} : memref<8x64x1024xf32, #tpu.memory_space<vmem>>, vector<1x64x1024xf32>,
    %get3A_37 = arith.constant 1536 : index
    %get3A_38 = arith.constant 0 : index
    %get3A_39 = vector.load %arg1[%get3A_37, %get3A_38] : memref<4096x128xf32, #tpu.memory_space<vmem>>, vector<512x128xf32>
    %slice3A_40 = vector.extract_strided_slice %get3A_39 {offsets = [0, 0], sizes = [512, 64], strides = [1, 1]} : vector<512x128xf32> to vector<512x64xf32>
    %transpose3A_41 = tpu.transpose %slice3A_40, [1, 0] : vector<512x64xf32> -> vector<64x512xf32>
    %slice3A_42 = vector.extract_strided_slice %get3A_39 {offsets = [0, 64], sizes = [512, 64], strides = [1, 1]} : vector<512x128xf32> to vector<512x64xf32>
    %transpose3A_43 = tpu.transpose %slice3A_42, [1, 0] : vector<512x64xf32> -> vector<64x512xf32>
    %concatenate3A_44 = tpu.concatenate %transpose3A_41, %transpose3A_43 in 1 : vector<64x512xf32>, vector<64x512xf32> -> vector<64x1024xf32>
    %swap3A_45 = arith.constant 3 : index
    %swap3A_46 = arith.constant 0 : index
    %swap3A_47 = arith.constant 0 : index
    %swap3A_48 = vector.load %arg2[%swap3A_45, %swap3A_46, %swap3A_47] : memref<8x64x1024xf32, #tpu.memory_space<vmem>>, vector<1x64x1024xf32>
    %swap3A_49 = vector.shape_cast %swap3A_48 : vector<1x64x1024xf32> to vector<64x1024xf32>
    %swap3A_50 = vector.shape_cast %concatenate3A_44 : vector<64x1024xf32> to vector<1x64x1024xf32>
    tpu.vector_store %arg2[%swap3A_45, %swap3A_46, %swap3A_47], %swap3A_50 {strides = array<i32>} : memref<8x64x1024xf32, #tpu.memory_space<vmem>>, vector<1x64x1024xf32>,
    %get3A_51 = arith.constant 2048 : index
    %get3A_52 = arith.constant 0 : index
    %get3A_53 = vector.load %arg1[%get3A_51, %get3A_52] : memref<4096x128xf32, #tpu.memory_space<vmem>>, vector<512x128xf32>
    %slice3A_54 = vector.extract_strided_slice %get3A_53 {offsets = [0, 0], sizes = [512, 64], strides = [1, 1]} : vector<512x128xf32> to vector<512x64xf32>
    %transpose3A_55 = tpu.transpose %slice3A_54, [1, 0] : vector<512x64xf32> -> vector<64x512xf32>
    %slice3A_56 = vector.extract_strided_slice %get3A_53 {offsets = [0, 64], sizes = [512, 64], strides = [1, 1]} : vector<512x128xf32> to vector<512x64xf32>
    %transpose3A_57 = tpu.transpose %slice3A_56, [1, 0] : vector<512x64xf32> -> vector<64x512xf32>
    %concatenate3A_58 = tpu.concatenate %transpose3A_55, %transpose3A_57 in 1 : vector<64x512xf32>, vector<64x512xf32> -> vector<64x1024xf32>
    %swap3A_59 = arith.constant 4 : index
    %swap3A_60 = arith.constant 0 : index
    %swap3A_61 = arith.constant 0 : index
    %swap3A_62 = vector.load %arg2[%swap3A_59, %swap3A_60, %swap3A_61] : memref<8x64x1024xf32, #tpu.memory_space<vmem>>, vector<1x64x1024xf32>
    %swap3A_63 = vector.shape_cast %swap3A_62 : vector<1x64x1024xf32> to vector<64x1024xf32>
    %swap3A_64 = vector.shape_cast %concatenate3A_58 : vector<64x1024xf32> to vector<1x64x1024xf32>
    tpu.vector_store %arg2[%swap3A_59, %swap3A_60, %swap3A_61], %swap3A_64 {strides = array<i32>} : memref<8x64x1024xf32, #tpu.memory_space<vmem>>, vector<1x64x1024xf32>,
    %get3A_65 = arith.constant 2560 : index
    %get3A_66 = arith.constant 0 : index
    %get3A_67 = vector.load %arg1[%get3A_65, %get3A_66] : memref<4096x128xf32, #tpu.memory_space<vmem>>, vector<512x128xf32>
    %slice3A_68 = vector.extract_strided_slice %get3A_67 {offsets = [0, 0], sizes = [512, 64], strides = [1, 1]} : vector<512x128xf32> to vector<512x64xf32>
    %transpose3A_69 = tpu.transpose %slice3A_68, [1, 0] : vector<512x64xf32> -> vector<64x512xf32>
    %slice3A_70 = vector.extract_strided_slice %get3A_67 {offsets = [0, 64], sizes = [512, 64], strides = [1, 1]} : vector<512x128xf32> to vector<512x64xf32>
    %transpose3A_71 = tpu.transpose %slice3A_70, [1, 0] : vector<512x64xf32> -> vector<64x512xf32>
    %concatenate3A_72 = tpu.concatenate %transpose3A_69, %transpose3A_71 in 1 : vector<64x512xf32>, vector<64x512xf32> -> vector<64x1024xf32>
    %swap3A_73 = arith.constant 5 : index
    %swap3A_74 = arith.constant 0 : index
    %swap3A_75 = arith.constant 0 : index
    %swap3A_76 = vector.load %arg2[%swap3A_73, %swap3A_74, %swap3A_75] : memref<8x64x1024xf32, #tpu.memory_space<vmem>>, vector<1x64x1024xf32>
    %swap3A_77 = vector.shape_cast %swap3A_76 : vector<1x64x1024xf32> to vector<64x1024xf32>
    %swap3A_78 = vector.shape_cast %concatenate3A_72 : vector<64x1024xf32> to vector<1x64x1024xf32>
    tpu.vector_store %arg2[%swap3A_73, %swap3A_74, %swap3A_75], %swap3A_78 {strides = array<i32>} : memref<8x64x1024xf32, #tpu.memory_space<vmem>>, vector<1x64x1024xf32>,
    %get3A_79 = arith.constant 3072 : index
    %get3A_80 = arith.constant 0 : index
    %get3A_81 = vector.load %arg1[%get3A_79, %get3A_80] : memref<4096x128xf32, #tpu.memory_space<vmem>>, vector<512x128xf32>
    %slice3A_82 = vector.extract_strided_slice %get3A_81 {offsets = [0, 0], sizes = [512, 64], strides = [1, 1]} : vector<512x128xf32> to vector<512x64xf32>
    %transpose3A_83 = tpu.transpose %slice3A_82, [1, 0] : vector<512x64xf32> -> vector<64x512xf32>
    %slice3A_84 = vector.extract_strided_slice %get3A_81 {offsets = [0, 64], sizes = [512, 64], strides = [1, 1]} : vector<512x128xf32> to vector<512x64xf32>
    %transpose3A_85 = tpu.transpose %slice3A_84, [1, 0] : vector<512x64xf32> -> vector<64x512xf32>
    %concatenate3A_86 = tpu.concatenate %transpose3A_83, %transpose3A_85 in 1 : vector<64x512xf32>, vector<64x512xf32> -> vector<64x1024xf32>
    %swap3A_87 = arith.constant 6 : index
    %swap3A_88 = arith.constant 0 : index
    %swap3A_89 = arith.constant 0 : index
    %swap3A_90 = vector.load %arg2[%swap3A_87, %swap3A_88, %swap3A_89] : memref<8x64x1024xf32, #tpu.memory_space<vmem>>, vector<1x64x1024xf32>
    %swap3A_91 = vector.shape_cast %swap3A_90 : vector<1x64x1024xf32> to vector<64x1024xf32>
    %swap3A_92 = vector.shape_cast %concatenate3A_86 : vector<64x1024xf32> to vector<1x64x1024xf32>
    tpu.vector_store %arg2[%swap3A_87, %swap3A_88, %swap3A_89], %swap3A_92 {strides = array<i32>} : memref<8x64x1024xf32, #tpu.memory_space<vmem>>, vector<1x64x1024xf32>,
    %get3A_93 = arith.constant 3584 : index
    %get3A_94 = arith.constant 0 : index
    %get3A_95 = vector.load %arg1[%get3A_93, %get3A_94] : memref<4096x128xf32, #tpu.memory_space<vmem>>, vector<512x128xf32>
    %slice3A_96 = vector.extract_strided_slice %get3A_95 {offsets = [0, 0], sizes = [512, 64], strides = [1, 1]} : vector<512x128xf32> to vector<512x64xf32>
    %transpose3A_97 = tpu.transpose %slice3A_96, [1, 0] : vector<512x64xf32> -> vector<64x512xf32>
    %slice3A_98 = vector.extract_strided_slice %get3A_95 {offsets = [0, 64], sizes = [512, 64], strides = [1, 1]} : vector<512x128xf32> to vector<512x64xf32>
    %transpose3A_99 = tpu.transpose %slice3A_98, [1, 0] : vector<512x64xf32> -> vector<64x512xf32>
    %concatenate3A_100 = tpu.concatenate %transpose3A_97, %transpose3A_99 in 1 : vector<64x512xf32>, vector<64x512xf32> -> vector<64x1024xf32>
    %swap3A_101 = arith.constant 7 : index
    %swap3A_102 = arith.constant 0 : index
    %swap3A_103 = arith.constant 0 : index
    %swap3A_104 = vector.load %arg2[%swap3A_101, %swap3A_102, %swap3A_103] : memref<8x64x1024xf32, #tpu.memory_space<vmem>>, vector<1x64x1024xf32>
    %swap3A_105 = vector.shape_cast %swap3A_104 : vector<1x64x1024xf32> to vector<64x1024xf32>
    %swap3A_106 = vector.shape_cast %concatenate3A_100 : vector<64x1024xf32> to vector<1x64x1024xf32>
    tpu.vector_store %arg2[%swap3A_101, %swap3A_102, %swap3A_103], %swap3A_106 {strides = array<i32>} : memref<8x64x1024xf32, #tpu.memory_space<vmem>>, vector<1x64x1024xf32>,
    return
  }
  func.func @transform_0(%arg0: i32) -> (i32, i32) {
    %c0_i32 = arith.constant 0 : i32
    %c0_i32_0 = arith.constant 0 : i32
    return %arg0, %c0_i32 : i32, i32
  }
  func.func @transform_1(%arg0: i32) -> (i32, i32, i32) {
    %c0_i32 = arith.constant 0 : i32
    %c0_i32_0 = arith.constant 0 : i32
    %c0_i32_1 = arith.constant 0 : i32
    return %arg0, %c0_i32, %c0_i32_0 : i32, i32, i32
  }
}

module attributes {stable_mosaic.version = 14 : i64} {
  func.func @_tc_body_b(%arg0: i32, %arg1: memref<4096x128xf32, #tpu.memory_space<vmem>>, %arg2: memref<1x64x128xf32, #tpu.memory_space<vmem>>, %arg3: memref<2x64x128xi32, #tpu.memory_space<vmem>>, %arg4: memref<2x64x128xi32, #tpu.memory_space<vmem>>, %arg5: memref<64x128xi32, #tpu.memory_space<vmem>>, %arg6: memref<8x64x1024xf32, #tpu.memory_space<vmem>>, %arg7: memref<64x128xi32, #tpu.memory_space<vmem>>) attributes {dimension_semantics = [#tpu.dimension_semantics<arbitrary>], iteration_bounds = array<i64: 3>, scalar_prefetch = 0 : i64, scratch_operands = 0 : i64, tpu.core_type = #tpu.core_type<tc>, window_params = [{transform_indices = @transform_0, window_bounds = array<i64: 4096, 128>}, {transform_indices = @transform_1, window_bounds = array<i64: 1, 64, 128>}, {pipeline_mode = #tpu.pipeline_mode<synchronous>, transform_indices = @transform_2, window_bounds = array<i64: 2, 64, 128>}, {pipeline_mode = #tpu.pipeline_mode<synchronous>, transform_indices = @transform_3, window_bounds = array<i64: 2, 64, 128>}, {pipeline_mode = #tpu.pipeline_mode<synchronous>, transform_indices = @transform_4, window_bounds = array<i64: 64, 128>}, {transform_indices = @transform_5, window_bounds = array<i64: 8, 64, 1024>}, {pipeline_mode = #tpu.pipeline_mode<synchronous>, transform_indices = @transform_6, window_bounds = array<i64: 64, 128>}]} {
    %get3A = arith.constant 0 : index
    %get3A_0 = arith.constant 0 : index
    %get3A_1 = vector.load %arg1[%get3A, %get3A_0] : memref<4096x128xf32, #tpu.memory_space<vmem>>, vector<512x128xf32>
    %slice3A = vector.extract_strided_slice %get3A_1 {offsets = [0, 0], sizes = [512, 64], strides = [1, 1]} : vector<512x128xf32> to vector<512x64xf32>
    %transpose3A = tpu.transpose %slice3A, [1, 0] : vector<512x64xf32> -> vector<64x512xf32>
    %slice3A_2 = vector.extract_strided_slice %get3A_1 {offsets = [0, 64], sizes = [512, 64], strides = [1, 1]} : vector<512x128xf32> to vector<512x64xf32>
    %transpose3A_3 = tpu.transpose %slice3A_2, [1, 0] : vector<512x64xf32> -> vector<64x512xf32>
    %concatenate3A = tpu.concatenate %transpose3A, %transpose3A_3 in 1 : vector<64x512xf32>, vector<64x512xf32> -> vector<64x1024xf32>
    %swap3A = arith.constant 0 : index
    %swap3A_4 = arith.constant 0 : index
    %swap3A_5 = arith.constant 0 : index
    %swap3A_6 = vector.load %arg6[%swap3A, %swap3A_4, %swap3A_5] : memref<8x64x1024xf32, #tpu.memory_space<vmem>>, vector<1x64x1024xf32>
    %swap3A_7 = vector.shape_cast %swap3A_6 : vector<1x64x1024xf32> to vector<64x1024xf32>
    %swap3A_8 = vector.shape_cast %concatenate3A : vector<64x1024xf32> to vector<1x64x1024xf32>
    tpu.vector_store %arg6[%swap3A, %swap3A_4, %swap3A_5], %swap3A_8 {strides = array<i32>} : memref<8x64x1024xf32, #tpu.memory_space<vmem>>, vector<1x64x1024xf32>,
    %get3A_9 = arith.constant 512 : index
    %get3A_10 = arith.constant 0 : index
    %get3A_11 = vector.load %arg1[%get3A_9, %get3A_10] : memref<4096x128xf32, #tpu.memory_space<vmem>>, vector<512x128xf32>
    %slice3A_12 = vector.extract_strided_slice %get3A_11 {offsets = [0, 0], sizes = [512, 64], strides = [1, 1]} : vector<512x128xf32> to vector<512x64xf32>
    %transpose3A_13 = tpu.transpose %slice3A_12, [1, 0] : vector<512x64xf32> -> vector<64x512xf32>
    %slice3A_14 = vector.extract_strided_slice %get3A_11 {offsets = [0, 64], sizes = [512, 64], strides = [1, 1]} : vector<512x128xf32> to vector<512x64xf32>
    %transpose3A_15 = tpu.transpose %slice3A_14, [1, 0] : vector<512x64xf32> -> vector<64x512xf32>
    %concatenate3A_16 = tpu.concatenate %transpose3A_13, %transpose3A_15 in 1 : vector<64x512xf32>, vector<64x512xf32> -> vector<64x1024xf32>
    %swap3A_17 = arith.constant 1 : index
    %swap3A_18 = arith.constant 0 : index
    %swap3A_19 = arith.constant 0 : index
    %swap3A_20 = vector.load %arg6[%swap3A_17, %swap3A_18, %swap3A_19] : memref<8x64x1024xf32, #tpu.memory_space<vmem>>, vector<1x64x1024xf32>
    %swap3A_21 = vector.shape_cast %swap3A_20 : vector<1x64x1024xf32> to vector<64x1024xf32>
    %swap3A_22 = vector.shape_cast %concatenate3A_16 : vector<64x1024xf32> to vector<1x64x1024xf32>
    tpu.vector_store %arg6[%swap3A_17, %swap3A_18, %swap3A_19], %swap3A_22 {strides = array<i32>} : memref<8x64x1024xf32, #tpu.memory_space<vmem>>, vector<1x64x1024xf32>,
    %get3A_23 = arith.constant 1024 : index
    %get3A_24 = arith.constant 0 : index
    %get3A_25 = vector.load %arg1[%get3A_23, %get3A_24] : memref<4096x128xf32, #tpu.memory_space<vmem>>, vector<512x128xf32>
    %slice3A_26 = vector.extract_strided_slice %get3A_25 {offsets = [0, 0], sizes = [512, 64], strides = [1, 1]} : vector<512x128xf32> to vector<512x64xf32>
    %transpose3A_27 = tpu.transpose %slice3A_26, [1, 0] : vector<512x64xf32> -> vector<64x512xf32>
    %slice3A_28 = vector.extract_strided_slice %get3A_25 {offsets = [0, 64], sizes = [512, 64], strides = [1, 1]} : vector<512x128xf32> to vector<512x64xf32>
    %transpose3A_29 = tpu.transpose %slice3A_28, [1, 0] : vector<512x64xf32> -> vector<64x512xf32>
    %concatenate3A_30 = tpu.concatenate %transpose3A_27, %transpose3A_29 in 1 : vector<64x512xf32>, vector<64x512xf32> -> vector<64x1024xf32>
    %swap3A_31 = arith.constant 2 : index
    %swap3A_32 = arith.constant 0 : index
    %swap3A_33 = arith.constant 0 : index
    %swap3A_34 = vector.load %arg6[%swap3A_31, %swap3A_32, %swap3A_33] : memref<8x64x1024xf32, #tpu.memory_space<vmem>>, vector<1x64x1024xf32>
    %swap3A_35 = vector.shape_cast %swap3A_34 : vector<1x64x1024xf32> to vector<64x1024xf32>
    %swap3A_36 = vector.shape_cast %concatenate3A_30 : vector<64x1024xf32> to vector<1x64x1024xf32>
    tpu.vector_store %arg6[%swap3A_31, %swap3A_32, %swap3A_33], %swap3A_36 {strides = array<i32>} : memref<8x64x1024xf32, #tpu.memory_space<vmem>>, vector<1x64x1024xf32>,
    %get3A_37 = arith.constant 1536 : index
    %get3A_38 = arith.constant 0 : index
    %get3A_39 = vector.load %arg1[%get3A_37, %get3A_38] : memref<4096x128xf32, #tpu.memory_space<vmem>>, vector<512x128xf32>
    %slice3A_40 = vector.extract_strided_slice %get3A_39 {offsets = [0, 0], sizes = [512, 64], strides = [1, 1]} : vector<512x128xf32> to vector<512x64xf32>
    %transpose3A_41 = tpu.transpose %slice3A_40, [1, 0] : vector<512x64xf32> -> vector<64x512xf32>
    %slice3A_42 = vector.extract_strided_slice %get3A_39 {offsets = [0, 64], sizes = [512, 64], strides = [1, 1]} : vector<512x128xf32> to vector<512x64xf32>
    %transpose3A_43 = tpu.transpose %slice3A_42, [1, 0] : vector<512x64xf32> -> vector<64x512xf32>
    %concatenate3A_44 = tpu.concatenate %transpose3A_41, %transpose3A_43 in 1 : vector<64x512xf32>, vector<64x512xf32> -> vector<64x1024xf32>
    %swap3A_45 = arith.constant 3 : index
    %swap3A_46 = arith.constant 0 : index
    %swap3A_47 = arith.constant 0 : index
    %swap3A_48 = vector.load %arg6[%swap3A_45, %swap3A_46, %swap3A_47] : memref<8x64x1024xf32, #tpu.memory_space<vmem>>, vector<1x64x1024xf32>
    %swap3A_49 = vector.shape_cast %swap3A_48 : vector<1x64x1024xf32> to vector<64x1024xf32>
    %swap3A_50 = vector.shape_cast %concatenate3A_44 : vector<64x1024xf32> to vector<1x64x1024xf32>
    tpu.vector_store %arg6[%swap3A_45, %swap3A_46, %swap3A_47], %swap3A_50 {strides = array<i32>} : memref<8x64x1024xf32, #tpu.memory_space<vmem>>, vector<1x64x1024xf32>,
    %get3A_51 = arith.constant 2048 : index
    %get3A_52 = arith.constant 0 : index
    %get3A_53 = vector.load %arg1[%get3A_51, %get3A_52] : memref<4096x128xf32, #tpu.memory_space<vmem>>, vector<512x128xf32>
    %slice3A_54 = vector.extract_strided_slice %get3A_53 {offsets = [0, 0], sizes = [512, 64], strides = [1, 1]} : vector<512x128xf32> to vector<512x64xf32>
    %transpose3A_55 = tpu.transpose %slice3A_54, [1, 0] : vector<512x64xf32> -> vector<64x512xf32>
    %slice3A_56 = vector.extract_strided_slice %get3A_53 {offsets = [0, 64], sizes = [512, 64], strides = [1, 1]} : vector<512x128xf32> to vector<512x64xf32>
    %transpose3A_57 = tpu.transpose %slice3A_56, [1, 0] : vector<512x64xf32> -> vector<64x512xf32>
    %concatenate3A_58 = tpu.concatenate %transpose3A_55, %transpose3A_57 in 1 : vector<64x512xf32>, vector<64x512xf32> -> vector<64x1024xf32>
    %swap3A_59 = arith.constant 4 : index
    %swap3A_60 = arith.constant 0 : index
    %swap3A_61 = arith.constant 0 : index
    %swap3A_62 = vector.load %arg6[%swap3A_59, %swap3A_60, %swap3A_61] : memref<8x64x1024xf32, #tpu.memory_space<vmem>>, vector<1x64x1024xf32>
    %swap3A_63 = vector.shape_cast %swap3A_62 : vector<1x64x1024xf32> to vector<64x1024xf32>
    %swap3A_64 = vector.shape_cast %concatenate3A_58 : vector<64x1024xf32> to vector<1x64x1024xf32>
    tpu.vector_store %arg6[%swap3A_59, %swap3A_60, %swap3A_61], %swap3A_64 {strides = array<i32>} : memref<8x64x1024xf32, #tpu.memory_space<vmem>>, vector<1x64x1024xf32>,
    %get3A_65 = arith.constant 2560 : index
    %get3A_66 = arith.constant 0 : index
    %get3A_67 = vector.load %arg1[%get3A_65, %get3A_66] : memref<4096x128xf32, #tpu.memory_space<vmem>>, vector<512x128xf32>
    %slice3A_68 = vector.extract_strided_slice %get3A_67 {offsets = [0, 0], sizes = [512, 64], strides = [1, 1]} : vector<512x128xf32> to vector<512x64xf32>
    %transpose3A_69 = tpu.transpose %slice3A_68, [1, 0] : vector<512x64xf32> -> vector<64x512xf32>
    %slice3A_70 = vector.extract_strided_slice %get3A_67 {offsets = [0, 64], sizes = [512, 64], strides = [1, 1]} : vector<512x128xf32> to vector<512x64xf32>
    %transpose3A_71 = tpu.transpose %slice3A_70, [1, 0] : vector<512x64xf32> -> vector<64x512xf32>
    %concatenate3A_72 = tpu.concatenate %transpose3A_69, %transpose3A_71 in 1 : vector<64x512xf32>, vector<64x512xf32> -> vector<64x1024xf32>
    %swap3A_73 = arith.constant 5 : index
    %swap3A_74 = arith.constant 0 : index
    %swap3A_75 = arith.constant 0 : index
    %swap3A_76 = vector.load %arg6[%swap3A_73, %swap3A_74, %swap3A_75] : memref<8x64x1024xf32, #tpu.memory_space<vmem>>, vector<1x64x1024xf32>
    %swap3A_77 = vector.shape_cast %swap3A_76 : vector<1x64x1024xf32> to vector<64x1024xf32>
    %swap3A_78 = vector.shape_cast %concatenate3A_72 : vector<64x1024xf32> to vector<1x64x1024xf32>
    tpu.vector_store %arg6[%swap3A_73, %swap3A_74, %swap3A_75], %swap3A_78 {strides = array<i32>} : memref<8x64x1024xf32, #tpu.memory_space<vmem>>, vector<1x64x1024xf32>,
    %get3A_79 = arith.constant 3072 : index
    %get3A_80 = arith.constant 0 : index
    %get3A_81 = vector.load %arg1[%get3A_79, %get3A_80] : memref<4096x128xf32, #tpu.memory_space<vmem>>, vector<512x128xf32>
    %slice3A_82 = vector.extract_strided_slice %get3A_81 {offsets = [0, 0], sizes = [512, 64], strides = [1, 1]} : vector<512x128xf32> to vector<512x64xf32>
    %transpose3A_83 = tpu.transpose %slice3A_82, [1, 0] : vector<512x64xf32> -> vector<64x512xf32>
    %slice3A_84 = vector.extract_strided_slice %get3A_81 {offsets = [0, 64], sizes = [512, 64], strides = [1, 1]} : vector<512x128xf32> to vector<512x64xf32>
    %transpose3A_85 = tpu.transpose %slice3A_84, [1, 0] : vector<512x64xf32> -> vector<64x512xf32>
    %concatenate3A_86 = tpu.concatenate %transpose3A_83, %transpose3A_85 in 1 : vector<64x512xf32>, vector<64x512xf32> -> vector<64x1024xf32>
    %swap3A_87 = arith.constant 6 : index
    %swap3A_88 = arith.constant 0 : index
    %swap3A_89 = arith.constant 0 : index
    %swap3A_90 = vector.load %arg6[%swap3A_87, %swap3A_88, %swap3A_89] : memref<8x64x1024xf32, #tpu.memory_space<vmem>>, vector<1x64x1024xf32>
    %swap3A_91 = vector.shape_cast %swap3A_90 : vector<1x64x1024xf32> to vector<64x1024xf32>
    %swap3A_92 = vector.shape_cast %concatenate3A_86 : vector<64x1024xf32> to vector<1x64x1024xf32>
    tpu.vector_store %arg6[%swap3A_87, %swap3A_88, %swap3A_89], %swap3A_92 {strides = array<i32>} : memref<8x64x1024xf32, #tpu.memory_space<vmem>>, vector<1x64x1024xf32>,
    %get3A_93 = arith.constant 3584 : index
    %get3A_94 = arith.constant 0 : index
    %get3A_95 = vector.load %arg1[%get3A_93, %get3A_94] : memref<4096x128xf32, #tpu.memory_space<vmem>>, vector<512x128xf32>
    %slice3A_96 = vector.extract_strided_slice %get3A_95 {offsets = [0, 0], sizes = [512, 64], strides = [1, 1]} : vector<512x128xf32> to vector<512x64xf32>
    %transpose3A_97 = tpu.transpose %slice3A_96, [1, 0] : vector<512x64xf32> -> vector<64x512xf32>
    %slice3A_98 = vector.extract_strided_slice %get3A_95 {offsets = [0, 64], sizes = [512, 64], strides = [1, 1]} : vector<512x128xf32> to vector<512x64xf32>
    %transpose3A_99 = tpu.transpose %slice3A_98, [1, 0] : vector<512x64xf32> -> vector<64x512xf32>
    %concatenate3A_100 = tpu.concatenate %transpose3A_97, %transpose3A_99 in 1 : vector<64x512xf32>, vector<64x512xf32> -> vector<64x1024xf32>
    %swap3A_101 = arith.constant 7 : index
    %swap3A_102 = arith.constant 0 : index
    %swap3A_103 = arith.constant 0 : index
    %swap3A_104 = vector.load %arg6[%swap3A_101, %swap3A_102, %swap3A_103] : memref<8x64x1024xf32, #tpu.memory_space<vmem>>, vector<1x64x1024xf32>
    %swap3A_105 = vector.shape_cast %swap3A_104 : vector<1x64x1024xf32> to vector<64x1024xf32>
    %swap3A_106 = vector.shape_cast %concatenate3A_100 : vector<64x1024xf32> to vector<1x64x1024xf32>
    tpu.vector_store %arg6[%swap3A_101, %swap3A_102, %swap3A_103], %swap3A_106 {strides = array<i32>} : memref<8x64x1024xf32, #tpu.memory_space<vmem>>, vector<1x64x1024xf32>,
    %eq3A = arith.constant 0 : i32
    %eq3A_107 = arith.cmpi eq, %arg0, %eq3A : i32
    %convert_element_type3A = arith.extui %eq3A_107 : i1 to i32
    %cond3A = arith.constant 0 : i32
    %cond3A_108 = arith.cmpi ne, %convert_element_type3A, %cond3A : i32
    scf.if %cond3A_108 {
      %get3A_109 = arith.constant 0 : index
      %get3A_110 = arith.constant 0 : index
      %get3A_111 = vector.load %arg5[%get3A_109, %get3A_110] : memref<64x128xi32, #tpu.memory_space<vmem>>, vector<64x128xi32>
      %get3A_112 = arith.constant 0 : index
      %get3A_113 = arith.constant 0 : index
      %get3A_114 = arith.constant 0 : index
      %get3A_115 = vector.load %arg3[%get3A_112, %get3A_113, %get3A_114] : memref<2x64x128xi32, #tpu.memory_space<vmem>>, vector<1x64x128xi32>
      %get3A_116 = vector.shape_cast %get3A_115 : vector<1x64x128xi32> to vector<64x128xi32>
      %add3A = arith.addi %get3A_111, %get3A_116 : vector<64x128xi32>
      %get3A_117 = arith.constant 1 : index
      %get3A_118 = arith.constant 0 : index
      %get3A_119 = arith.constant 0 : index
      %get3A_120 = vector.load %arg3[%get3A_117, %get3A_118, %get3A_119] : memref<2x64x128xi32, #tpu.memory_space<vmem>>, vector<1x64x128xi32>
      %get3A_121 = vector.shape_cast %get3A_120 : vector<1x64x128xi32> to vector<64x128xi32>
      %add3A_122 = arith.addi %add3A, %get3A_121 : vector<64x128xi32>
      %get3A_123 = arith.constant 0 : index
      %get3A_124 = arith.constant 0 : index
      %get3A_125 = arith.constant 0 : index
      %get3A_126 = vector.load %arg4[%get3A_123, %get3A_124, %get3A_125] : memref<2x64x128xi32, #tpu.memory_space<vmem>>, vector<1x64x128xi32>
      %get3A_127 = vector.shape_cast %get3A_126 : vector<1x64x128xi32> to vector<64x128xi32>
      %add3A_128 = arith.addi %add3A_122, %get3A_127 : vector<64x128xi32>
      %get3A_129 = arith.constant 1 : index
      %get3A_130 = arith.constant 0 : index
      %get3A_131 = arith.constant 0 : index
      %get3A_132 = vector.load %arg4[%get3A_129, %get3A_130, %get3A_131] : memref<2x64x128xi32, #tpu.memory_space<vmem>>, vector<1x64x128xi32>
      %get3A_133 = vector.shape_cast %get3A_132 : vector<1x64x128xi32> to vector<64x128xi32>
      %add3A_134 = arith.addi %add3A_128, %get3A_133 : vector<64x128xi32>
      %swap3A_135 = arith.constant 0 : index
      %swap3A_136 = arith.constant 0 : index
      %swap3A_137 = vector.load %arg7[%swap3A_135, %swap3A_136] : memref<64x128xi32, #tpu.memory_space<vmem>>, vector<64x128xi32>
      tpu.vector_store %arg7[%swap3A_135, %swap3A_136], %add3A_134 {strides = array<i32>} : memref<64x128xi32, #tpu.memory_space<vmem>>, vector<64x128xi32>,
    } else {
    }
    return
  }
  func.func @transform_0(%arg0: i32) -> (i32, i32) {
    %c0_i32 = arith.constant 0 : i32
    %c0_i32_0 = arith.constant 0 : i32
    return %arg0, %c0_i32 : i32, i32
  }
  func.func @transform_1(%arg0: i32) -> (i32, i32, i32) {
    %c0_i32 = arith.constant 0 : i32
    %c0_i32_0 = arith.constant 0 : i32
    %c0_i32_1 = arith.constant 0 : i32
    %c0_i32_2 = arith.constant 0 : i32
    return %c0_i32, %c0_i32_0, %c0_i32_1 : i32, i32, i32
  }
  func.func @transform_2(%arg0: i32) -> (i32, i32, i32) {
    %c0_i32 = arith.constant 0 : i32
    %c0_i32_0 = arith.constant 0 : i32
    %c0_i32_1 = arith.constant 0 : i32
    %c0_i32_2 = arith.constant 0 : i32
    return %c0_i32, %c0_i32_0, %c0_i32_1 : i32, i32, i32
  }
  func.func @transform_3(%arg0: i32) -> (i32, i32, i32) {
    %c0_i32 = arith.constant 0 : i32
    %c0_i32_0 = arith.constant 0 : i32
    %c0_i32_1 = arith.constant 0 : i32
    %c0_i32_2 = arith.constant 0 : i32
    return %c0_i32, %c0_i32_0, %c0_i32_1 : i32, i32, i32
  }
  func.func @transform_4(%arg0: i32) -> (i32, i32) {
    %c0_i32 = arith.constant 0 : i32
    %c0_i32_0 = arith.constant 0 : i32
    %c0_i32_1 = arith.constant 0 : i32
    return %c0_i32, %c0_i32_0 : i32, i32
  }
  func.func @transform_5(%arg0: i32) -> (i32, i32, i32) {
    %add3A = arith.constant 5 : i32
    %add3A_0 = arith.addi %arg0, %add3A : i32
    %c0_i32 = arith.constant 0 : i32
    %c0_i32_1 = arith.constant 0 : i32
    %c0_i32_2 = arith.constant 0 : i32
    return %add3A_0, %c0_i32, %c0_i32_1 : i32, i32, i32
  }
  func.func @transform_6(%arg0: i32) -> (i32, i32) {
    %c0_i32 = arith.constant 0 : i32
    %c0_i32_0 = arith.constant 0 : i32
    %c0_i32_1 = arith.constant 0 : i32
    return %c0_i32, %c0_i32_0 : i32, i32
  }
}

</mosaic_0001>

<sc_bundles>
// kernel: kernel.6.cloned.1.call-start
scs
__scs_entry_jumppad:
0x0: {  	(pc) =	sbr.rel $0x88, $3  }
0x1: {  	(tag) =	ssettag $0x0;
	lr =	simm.s32 $0x1  }
0x2: {  	[smem:$0x3F9E] =	sst lr;
	_ =	strace $0xD0000000  }
0x3: {  	_ = 	snop  }
0x4: {  	_ = 	snop  }
0x5: {  	_ = 	snop  }
0x6: {  	_ = 	snop  }
0x7: {  	_ = 	snop  }
__scs_overlays_trampoline_lowered:
0x8: {  	[smem:$0x3FAD] =	sst s0  }
0x9: {  	[smem:$0x3FAE] =	sst s1  }
0xa: {  	[smem:$0x3FAF] =	sst s2  }
0xb: {  	[smem:$0x3FB0] =	sst s3  }
0xc: {  	[smem:$0x3FB1] =	sst s4  }
0xd: {  	[smem:$0x3FB2] =	sst s5  }
0xe: {  	[smem:$0x3FB3] =	sst s6  }
0xf: {  	[smem:$0x3FB4] =	sst s7  }
0x10: {  	[smem:$0x3FB5] =	sst s8  }
0x11: {  	[smem:$0x3FB6] =	sst s9;
	s0 =	simm.s32 @!p0 $0x0  }
0x12: {  	s1 =	sld [smem:$0x3F9C];
	s0 =	simm.s32 @p0 $0x1  }
0x13: {  	[smem:$0x3FB7] =	sst s0;
	s0 =	simm.s32 @!p1 $0x0  }
0x14: {  	s2 =	sld [smem:$0x3F9B];
	s0 =	simm.s32 @p1 $0x1  }
0x15: {  	[smem:$0x3FB8] =	sst s0;
	s0 =	simm.s32 @!p2 $0x0  }
0x16: {  	s3 =	sld [smem:$0x3FDB];
	s0 =	simm.s32 @p2 $0x1  }
0x17: {  	s4 =	simm.s32 $0x1BF5;
	[smem:$0x3FBA] =	sst s0  }
0x18: {  	s0 =	sld [smem:$0x3F9D];
	_ =	swait.ge [sflag:s4], $0x0  }
0x19: {  	s7 =	sld [smem:$0x3F9E]  }
0x1a: {  	s8 =	sadd.s32 $0xFFFFE003, lr  }
0x1b: {  	s9 =	sadd.s32 $0xFFFFFEF7, lr;
	s5 =	simm.s32 $0xFFFFFFFF;
	p2 =	slt.u32 s8, $0xFFFFF086  }
0x1c: {  	p1 =	slt.u32 s9, $0xF7A;
	s5 =	simm.s32 @!p2 $0x0  }
0x1d: {  	s5 =	simm.s32 @p1 $0x1;
	p0 =	seq.s32 s7, s2  }
0x1e: {  	s7 =	smul.u32 @!p0 $0xF7A, s2;
	p2 =	seq.s32 @!p0 s5, $0x0  }
0x1f: {  	s9 =	smul.u32 $0xF7A, s1;
	s8 =	simm.s32 @!p0 $0x1BF5;
	p2 =	por !p2, p0  }
0x20: {  	[sflag:s8] =	ssyncset.s32 @!p0 $0xFFFFF086;
	s6 =	sadd.s32 @!p0 s3, s7;
	s7 =	simm.s32 @!p0 $0x108  }
0x21: {  	s3 =	sadd.s32 s3, s9;
	s6 =	sadd.s32 @!p0 $0x88, s6;
	s7 =	simm.s32 @p2 $0x1082  }
0x22: {  	[simem:s7], [sflag:s8] =	dma.local @!p0 [hbm:s6], $0xF7A  }
0x23: {  	s9 =	sor.u32 $0xD0000000, s2;
	s6 =	simm.s32 $0x108;
	_ =	swait.ge @!p0 [sflag:s8], $0x0  }
0x24: {  	s3 =	sadd.s32 $0x88, s3;
	s6 =	simm.s32 @!p1 $0x1082;
	[sflag:s4] =	ssyncset.s32 $0xFFFFF086  }
0x25: {  	[simem:s6], [sflag:s4] =	dma.local [hbm:s3], $0xF7A  }
0x26: {  	[smem:$0x3F9E] =	sst s1;
	(tag) =	ssettag s2;
	_ =	strace s9  }
0x27: {  	s1 =	sld [smem:$0x3FAE]  }
0x28: {  	s2 =	sld [smem:$0x3FAF]  }
0x29: {  	s4 =	sld [smem:$0x3FB1]  }
0x2a: {  	p0 =	seq.s32 s5, $0x0;
	s5 =	sld [smem:$0x3FB2]  }
0x2b: {  	s6 =	sld [smem:$0x3FB3]  }
0x2c: {  	s7 =	sld [smem:$0x3FB4]  }
0x2d: {  	s3 =	simm.s32 $0x108;
	s8 =	sld [smem:$0x3FB5]  }
0x2e: {  	s3 =	simm.s32 @!p0 $0x1082;
	s9 =	sld [smem:$0x3FB6]  }
0x2f: {  	lr =	sadd.s32 s0, s3;
	s0 =	sld [smem:$0x3FAD]  }
0x30: {  	s3 =	sld [smem:$0x3FB0]  }
0x31: {  	[smem:$0x3FB9] =	sst s10  }
0x32: {  	s10 =	sld [smem:$0x3FB7];
	_ =	sdelay $0x3  }
0x33: {  	p0 =	seq.s32 s10, $0x1;
	s10 =	sld [smem:$0x3FB9];
	_ =	sdelay $0x3  }
0x34: {  	[smem:$0x3FB9] =	sst s10  }
0x35: {  	s10 =	sld [smem:$0x3FB8];
	_ =	sdelay $0x3  }
0x36: {  	p1 =	seq.s32 s10, $0x1;
	s10 =	sld [smem:$0x3FB9];
	_ =	sdelay $0x3  }
0x37: {  	[smem:$0x3FB9] =	sst s10  }
0x38: {  	s10 =	sld [smem:$0x3FBA]  }
0x39: {  	_ = 	snop;
	(pc) =	sbr.ind lr, $3  }
0x3a: {  	_ = 	snop  }
0x3b: {  	_ = 	snop  }
0x3c: {  	p2 =	seq.s32 s10, $0x1;
	s10 =	sld [smem:$0x3FB9]  }
0x3d: {  	_ =	shalt  }
0x3e: {  	_ =	shalt  }
0x3f: {  	_ =	shalt  }
0x40: {  	_ =	shalt  }
0x41: {  	_ =	shalt  }
0x42: {  	_ =	shalt  }
0x43: {  	_ =	shalt  }
0x44: {  	_ =	shalt  }
0x45: {  	_ =	shalt  }
0x46: {  	_ =	shalt  }
0x47: {  	_ =	shalt  }
0x48: {  	_ =	shalt  }
0x49: {  	_ =	shalt  }
0x4a: {  	_ =	shalt  }
0x4b: {  	_ =	shalt  }
0x4c: {  	_ =	shalt  }
0x4d: {  	_ =	shalt  }
0x4e: {  	_ =	shalt  }
0x4f: {  	_ =	shalt  }
0x50: {  	_ =	shalt  }
0x51: {  	_ =	shalt  }
0x52: {  	_ =	shalt  }
0x53: {  	_ =	shalt  }
0x54: {  	_ =	shalt  }
0x55: {  	_ =	shalt  }
0x56: {  	_ =	shalt  }
0x57: {  	_ =	shalt  }
0x58: {  	_ =	shalt  }
0x59: {  	_ =	shalt  }
0x5a: {  	_ =	shalt  }
0x5b: {  	_ =	shalt  }
0x5c: {  	_ =	shalt  }
0x5d: {  	_ =	shalt  }
0x5e: {  	_ =	shalt  }
0x5f: {  	_ =	shalt  }
0x60: {  	_ =	shalt  }
0x61: {  	_ =	shalt  }
0x62: {  	_ =	shalt  }
0x63: {  	_ =	shalt  }
0x64: {  	_ =	shalt  }
0x65: {  	_ =	shalt  }
0x66: {  	_ =	shalt  }
0x67: {  	_ =	shalt  }
0x68: {  	_ =	shalt  }
0x69: {  	_ =	shalt  }
0x6a: {  	_ =	shalt  }
0x6b: {  	_ =	shalt  }
0x6c: {  	_ =	shalt  }
0x6d: {  	_ =	shalt  }
0x6e: {  	_ =	shalt  }
0x6f: {  	_ =	shalt  }
0x70: {  	_ =	shalt  }
0x71: {  	_ =	shalt  }
0x72: {  	_ =	shalt  }
0x73: {  	_ =	shalt  }
0x74: {  	_ =	shalt  }
0x75: {  	_ =	shalt  }
0x76: {  	_ =	shalt  }
0x77: {  	_ =	shalt  }
0x78: {  	_ =	shalt  }
0x79: {  	_ =	shalt  }
0x7a: {  	_ =	shalt  }
0x7b: {  	_ =	shalt  }
0x7c: {  	_ =	shalt  }
0x7d: {  	_ =	shalt  }
0x7e: {  	_ =	shalt  }
0x7f: {  	_ =	shalt  }
0x80: {  	_ =	shalt  }
0x81: {  	_ =	shalt  }
0x82: {  	_ =	shalt  }
0x83: {  	_ =	shalt  }
0x84: {  	_ =	shalt  }
0x85: {  	_ =	shalt  }
0x86: {  	_ =	shalt  }
0x87: {  	_ =	shalt  }
.Lfunc_end0:
.L_simem_size_0:
called_computation_lowered:
.L_overlay_start_0:
0x88: {  	s2 =	sld [smem:$0x3FD9]  }
0x89: {  	s3 =	sld [smem:$0x3FFE];
	_ =	sdelay $0x1  }
0x8a: {  	s1 =	srdreg.scid  }
0x8b: {  	s0 =	sand.u32 $0x1, s1  }
0x8c: {  	s14 =	sshll.u32 s0, $0xA;
	s2 =	sadd.s32 s3, s2  }
0x8d: {  	s2 =	sadd.s32 s2, s14  }
0x8e: {  	[smem:$0x3FC5] =	sst s2  }
0x8f: {  	_ = 	snop  }
0x90: {  	s2 =	sld [smem:$0x3FD0];
	_ =	sdelay $0x2  }
0x91: {  	s15 =	simm.s32 $0xB;
	s4 =	simm.s32 $0x10  }
0x92: {  	[smem:s4], [sflag:s15] =	dma.local [hbm:s2], $0x1  }
0x93: {  	_ =	swait.eq [sflag:s15], $0x1  }
0x94: {  	[sflag:s15] =	ssyncset.done $0x0  }
0x95: {  	[sflag:s15] =	ssyncadd.s32 $0xFFFFFFFF  }
0x96: {  	s16 =	sld [smem:$0x10];
	(tm) =	ssettm $0x1  }
0x97: {  	s17 =	sld [smem:$0x3FFB];
	_ =	sdelay $0x3  }
0x98: {  	_ =	strace s17  }
0x99: {  	s3 =	sld [smem:$0x3FFC];
	_ =	sdelay $0x3  }
0x9a: {  	_ =	strace s3  }
0x9b: {  	s3 =	sld [smem:$0x3FFD];
	_ =	sdelay $0x3  }
0x9c: {  	_ =	strace s3  }
0x9d: {  	_ =	strace $0x8FFFFFFF  }
0x9e: {  	s18 =	sld [smem:$0x3FDB];
	_ =	sdelay $0x1  }
0x9f: {  	s19 =	simm.s32 $_scs_section_size  }
0xa0: {  	s5 =	simm.s32 $_size__tile_overlayer_lowered;
	s6 =	simm.s32 $_tile_overlayer_lowered  }
0xa1: {  	s22 =	simm.s32 $0x1BFF;
	s21 =	sshll.u32 s6, $0x1;
	s3 =	sadd.s32 s19, s18  }
0xa2: {  	s7 =	simm.s32 $0x0;
	s20 =	sshll.u32 s5, $0x1;
	s5 =	sadd.s32 s21, s3  }
0xa3: {  	[timem:s7], [sflag:s22] =	dma.local [hbm:s5], s20  }
0xa4: {  	_ =	swait.ge [sflag:s22], s20  }
0xa5: {  	s4 =	ssub.s32 $0x0, s20;
	[sflag:s22] =	ssyncset.done $0x0  }
0xa6: {  	[sflag:s22] =	ssyncadd.s32 s4;
	_ =	sdelay $0x1  }
0xa7: {  	s23 =	simm.s32 $0x1B8B  }
0xa8: {  	_ =	swait.ge [sflag:s23], $0x1  }
0xa9: {  	[sflag:s23] =	ssyncset.done $0x0  }
0xaa: {  	s25 =	simm.s32 $0x1B8E;
	s24 =	sld [smem:$0x3FFE];
	[sflag:s23] =	ssyncadd.s32 $0xFFFFFFFF  }
0xab: {  	s26 =	simm.s32 $execute0_lowered;
	[smem:$0x3FD2] =	sst s25  }
0xac: {  	s5 =	sshll.u32 s26, $0x1;
	_ =	strace $0x80000046;
	[dreg:$0x1] =	wrdreg $0xFFFFFFFF  }
0xad: {  	s28 =	simm.s32 $_size_execute0_lowered;
	s3 =	sadd.s32 s3, s5;
	[dreg:$0x0] =	wrdreg $0x0  }
0xae: {  	s5 =	sshll.u32 s28, $0x1;
	[dreg:$0x2] =	wrdreg s3  }
0xaf: {  	[dreg:$0x3] =	wrdreg s5  }
0xb0: {  	[dreg:$0x4] =	wrdreg $0xC0  }
0xb1: {  	_ =	task [dreg:s7], $0x5FFFF  }
0xb2: {  	[dreg:$0x1] =	wrdreg $0xFFFFFFFF  }
0xb3: {  	[dreg:$0x0] =	wrdreg $0x60  }
0xb4: {  	[dreg:$0x2] =	wrdreg s24  }
0xb5: {  	[dreg:$0x3] =	wrdreg s16  }
0xb6: {  	[dreg:$0x4] =	wrdreg $0x147800  }
0xb7: {  	[dreg:$0x5] =	wrdreg $0x9  }
0xb8: {  	_ =	task.clear_ibuf [dreg:s7], $0x6FFFF;
	_ =	strace $0x90000046  }
0xb9: {  	s29 =	simm.s32 $0x9;
	_ =	strace $0x80000048  }
0xba: {  	_ =	swait.ge [sflag:s29], $0x1  }
0xbb: {  	[sflag:s29] =	ssyncadd.s32 $0xFFFFFFFF  }
0xbc: {  	_ =	strace $0x90000048  }
0xbd: {  	_ =	sfence  }
0xbe: {  	s30 =	sld [smem:$0x0];
	_ =	sdelay $0x2  }
0xbf: {  	s31 =	sshll.u32 s1, $0xD;
	s1 =	sshrl.u32 s1, $0x2  }
0xc0: {  	s3 =	sand.u32 $0x4000, s31;
	s1 =	sadd.s32 s1, s30  }
0xc1: {  	s0 =	sor.u32 s3, s0;
	s1 =	sshll.u32 s1, $0x11  }
0xc2: {  	s0 =	sor.u32 s1, s0  }
0xc3: {  	s0 =	sadd.s32 $0x8F2B, s0  }
0xc4: {  	[sflag:s0] =	ssyncadd.remote.s32 $0x1  }
0xc5: {  	_ =	sfence.sel $0xFFFF  }
0xc6: {  	[dreg:$0x0] =	wrdreg $0xFFFFFFFF;
	(pc) =	sbr.abs _section_cstart, $3  }
0xc7: {  	[dreg:$0x1] =	wrdreg $0xFFFFFFFF  }
0xc8: {  	_ =	task.clear_ibuf [dreg:s7], $0x2FFFF;
	_ =	strace $0x9FFFFFFF  }
0xc9: {  	(tm) =	ssettm $0x7FFFFFFF  }
tec
execute0_lowered:
.L_overlay_start_1:
0x0: {  	(tag) =	ssettag $0x1  }
0x1: {  	s0 =	srdreg.scid  }
0x2: {  	s8 =	stileid.u32;
	s1 =	rddreg [dreg:$0x0]  }
0x3: {  	s3 =	rddreg [dreg:$0x1];
	s0 =	sand.u32 $0x1, s0;
	s2 =	sshll.u32 s8, $0x1  }
0x4: {  	s4 =	rddreg [dreg:$0x2];
	s2 =	sor.u32 s0, s2  }
0x5: {  	s5 =	simm.s32 $0x0;
	s21 =	simm.s32 $0x14580;
	s6 =	smul.u32 $0xA0, s2  }
0x6: {  	[smem:$0x7FF] =	sst s5;
	s20 =	sshll.u32 s8, $0x6;
	s2 =	smul.u32 $0x2800, s2  }
0x7: {  	_ =	strace $0x80000047;
	[dreg:$0xe] =	wrdreg s21;
	s6 =	sadd.s32 s6, s1  }
0x8: {  	[dreg:$0x10] =	wrdreg s20;
	s10 =	sadd.s32 s3, s2;
	s7 =	sadd.s32 $0x1E00, s6  }
0x9: {  	s2 =	sadd.s32 $0x400, s10;
	[dreg:$0x4] =	wrdreg s7  }
0xa: {  	s11 =	sadd.s32 $0x800, s10;
	[dreg:$0x5] =	wrdreg s2  }
0xb: {  	s12 =	sadd.s32 $0xC00, s10;
	[dreg:$0x6] =	wrdreg s11  }
0xc: {  	s13 =	sadd.s32 $0x1000, s10;
	[dreg:$0x7] =	wrdreg s12  }
0xd: {  	s14 =	sadd.s32 $0x1400, s10;
	[dreg:$0x8] =	wrdreg s13  }
0xe: {  	s15 =	sadd.s32 $0x1800, s10;
	[dreg:$0x9] =	wrdreg s14  }
0xf: {  	s16 =	sadd.s32 $0x1C00, s10;
	[dreg:$0xa] =	wrdreg s15  }
0x10: {  	s17 =	sshll.u32 s0, $0xA;
	s18 =	sadd.s32 $0x2000, s10;
	[dreg:$0xb] =	wrdreg s16  }
0x11: {  	s3 =	sadd.s32 s17, s1;
	s19 =	sadd.s32 $0x2400, s10;
	[dreg:$0xc] =	wrdreg s18  }
0x12: {  	s3 =	sadd.s32 $0x13200, s3;
	[dreg:$0xd] =	wrdreg s19  }
0x13: {  	s22 =	sadd.s32 s20, s3;
	s7 =	rddreg [dreg:$0x4]  }
0x14: {  	s3 =	simm.s32 $0x4;
	[dreg:$0xf] =	wrdreg s22  }
0x15: {  	[tilespmem:s5], [sflag:$0x4] =	stream.linear.gather [hbm4b:s7+s5], $0x500, $0x38;
	[tilespmem:$0x14980] =	vst v63  }
0x16: {  	_ =	swait.ge [sflag:s3], $0x500  }
0x17: {  	[sflag:s3] =	ssyncset.done $0x0  }
0x18: {  	v0 =	vimm.s32 $0x0;
	[sflag:s3] =	ssyncadd.s32 $0xFFFFFB00  }
0x19: {  	[tilespmem:$0x14770] =	vst v0  }
0x1a: {  	[tilespmem:$0x14760] =	vst v0  }
0x1b: {  	[tilespmem:$0x14750] =	vst v0  }
0x1c: {  	[tilespmem:$0x14740] =	vst v0  }
0x1d: {  	[tilespmem:$0x14730] =	vst v0  }
0x1e: {  	[tilespmem:$0x14720] =	vst v0  }
0x1f: {  	[tilespmem:$0x14710] =	vst v0  }
0x20: {  	[tilespmem:$0x14700] =	vst v0  }
0x21: {  	[tilespmem:$0x146F0] =	vst v0  }
0x22: {  	[tilespmem:$0x146E0] =	vst v0  }
0x23: {  	[tilespmem:$0x146D0] =	vst v0  }
0x24: {  	[tilespmem:$0x146C0] =	vst v0  }
0x25: {  	[tilespmem:$0x146B0] =	vst v0  }
0x26: {  	[tilespmem:$0x146A0] =	vst v0  }
0x27: {  	[tilespmem:$0x14690] =	vst v0  }
0x28: {  	[tilespmem:$0x14680] =	vst v0  }
0x29: {  	[tilespmem:$0x14670] =	vst v0  }
0x2a: {  	[tilespmem:$0x14660] =	vst v0  }
0x2b: {  	[tilespmem:$0x14650] =	vst v0  }
0x2c: {  	[tilespmem:$0x14640] =	vst v0  }
0x2d: {  	[tilespmem:$0x14630] =	vst v0  }
0x2e: {  	[tilespmem:$0x14620] =	vst v0  }
0x2f: {  	[tilespmem:$0x14610] =	vst v0  }
0x30: {  	[tilespmem:$0x14600] =	vst v0  }
0x31: {  	[tilespmem:$0x145F0] =	vst v0  }
0x32: {  	[tilespmem:$0x145E0] =	vst v0  }
0x33: {  	[tilespmem:$0x145D0] =	vst v0  }
0x34: {  	[tilespmem:$0x145C0] =	vst v0  }
0x35: {  	[tilespmem:$0x145B0] =	vst v0  }
0x36: {  	[tilespmem:$0x145A0] =	vst v0  }
0x37: {  	[tilespmem:$0x14590] =	vst v0  }
0x38: {  	v1 =	vimm.s32 $0x1;
	[tilespmem:$0x14580] =	vst v0  }
0x39: {  	[tilespmem:$0x14570] =	vst v1  }
0x3a: {  	[tilespmem:$0x14560] =	vst v1  }
0x3b: {  	[tilespmem:$0x14550] =	vst v1  }
0x3c: {  	[tilespmem:$0x14540] =	vst v1  }
0x3d: {  	[tilespmem:$0x14530] =	vst v1  }
0x3e: {  	[tilespmem:$0x14520] =	vst v1  }
0x3f: {  	s24 =	sshll.u32 s8, $0x9;
	[tilespmem:$0x14500] =	vst v1  }
0x40: {  	s7 =	sadd.s32 s24, s4;
	s23 =	rddreg [dreg:$0xe];
	[tilespmem:$0x14510] =	vst v1  }
0x41: {  	[spmem:s7] =	stream.linear.scatter [tilespmem:s23], [sflag:$0x4], $0x200, $0x38;
	[tilespmem:$0x14980] =	vst v63  }
0x42: {  	_ =	swait.ge [sflag:s3], $0x200  }
0x43: {  	[sflag:s3] =	ssyncset.done $0x0  }
0x44: {  	[sflag:s3] =	ssyncadd.s32 $0xFFFFFE00  }
0x45: {  	s9 =	simm.s32 $0x14500;
	s8 =	simm.s32 $0x80;
	[bflag:$0x0] =	sbarrier.arrive $0xFFFF  }
0x46: {  	[spmem:s4] =	stream.indirect.scatter.add.s32 [tilespmem:s9], [sflag:$0x3], $0x1, s5, s8, $0xb8;
	[tilespmem:$0x14980] =	vst v63  }
0x47: {  	_ = 	snop  }
0x48: {  	[spmem:s4] =	stream.indirect.scatter.add.s32 [tilespmem:s9], [sflag:$0x3], $0x1, s8, s8, $0xb8;
	[tilespmem:$0x14980] =	vst v63  }
0x49: {  	s25 =	simm.s32 $0x100  }
0x4a: {  	[spmem:s4] =	stream.indirect.scatter.add.s32 [tilespmem:s9], [sflag:$0x3], $0x1, s25, s8, $0xb8;
	[tilespmem:$0x14980] =	vst v63  }
0x4b: {  	s26 =	simm.s32 $0x180  }
0x4c: {  	[spmem:s4] =	stream.indirect.scatter.add.s32 [tilespmem:s9], [sflag:$0x3], $0x1, s26, s8, $0xb8;
	[tilespmem:$0x14980] =	vst v63  }
0x4d: {  	s12 =	simm.s32 $0x200  }
0x4e: {  	[spmem:s4] =	stream.indirect.scatter.add.s32 [tilespmem:s9], [sflag:$0x3], $0x1, s12, s8, $0xb8;
	[tilespmem:$0x14980] =	vst v63  }
0x4f: {  	s13 =	simm.s32 $0x280  }
0x50: {  	[spmem:s4] =	stream.indirect.scatter.add.s32 [tilespmem:s9], [sflag:$0x3], $0x1, s13, s8, $0xb8;
	[tilespmem:$0x14980] =	vst v63  }
0x51: {  	s14 =	simm.s32 $0x300  }
0x52: {  	[spmem:s4] =	stream.indirect.scatter.add.s32 [tilespmem:s9], [sflag:$0x3], $0x1, s14, s8, $0xb8;
	[tilespmem:$0x14980] =	vst v63  }
0x53: {  	s15 =	simm.s32 $0x380  }
0x54: {  	[spmem:s4] =	stream.indirect.scatter.add.s32 [tilespmem:s9], [sflag:$0x3], $0x1, s15, s8, $0xb8;
	[tilespmem:$0x14980] =	vst v63  }
0x55: {  	s16 =	simm.s32 $0x400  }
0x56: {  	[spmem:s4] =	stream.indirect.scatter.add.s32 [tilespmem:s9], [sflag:$0x3], $0x1, s16, s8, $0xb8;
	[tilespmem:$0x14980] =	vst v63  }
0x57: {  	s17 =	simm.s32 $0x480  }
0x58: {  	[spmem:s4] =	stream.indirect.scatter.add.s32 [tilespmem:s9], [sflag:$0x3], $0x1, s17, s8, $0xb8;
	[tilespmem:$0x14980] =	vst v63  }
0x59: {  	s18 =	sadd.s32 $0x3200, s1;
	s19 =	simm.s32 $0x500  }
0x5a: {  	[tilespmem:s19], [sflag:$0x1] =	stream.indirect.gather [hbm4b:s18+s8], $0x40, s5, s8, $0xb8;
	[tilespmem:$0x14980] =	vst v63  }
0x5b: {  	s20 =	simm.s32 $0x2500  }
0x5c: {  	[tilespmem:s20], [sflag:$0x1] =	stream.indirect.gather [hbm4b:s18+s8], $0x40, s8, s8, $0xb8;
	[tilespmem:$0x14980] =	vst v63  }
0x5d: {  	s21 =	simm.s32 $0x4500  }
0x5e: {  	[tilespmem:s21], [sflag:$0x1] =	stream.indirect.gather [hbm4b:s18+s8], $0x40, s25, s8, $0xb8;
	[tilespmem:$0x14980] =	vst v63  }
0x5f: {  	s22 =	simm.s32 $0x6500  }
0x60: {  	[tilespmem:s22], [sflag:$0x1] =	stream.indirect.gather [hbm4b:s18+s8], $0x40, s26, s8, $0xb8;
	[tilespmem:$0x14980] =	vst v63  }
0x61: {  	s23 =	simm.s32 $0x8500  }
0x62: {  	[tilespmem:s23], [sflag:$0x1] =	stream.indirect.gather [hbm4b:s18+s8], $0x40, s12, s8, $0xb8;
	[tilespmem:$0x14980] =	vst v63  }
0x63: {  	s24 =	simm.s32 $0xA500  }
0x64: {  	[tilespmem:s24], [sflag:$0x1] =	stream.indirect.gather [hbm4b:s18+s8], $0x40, s13, s8, $0xb8;
	[tilespmem:$0x14980] =	vst v63  }
0x65: {  	s25 =	simm.s32 $0xC500  }
0x66: {  	[tilespmem:s25], [sflag:$0x1] =	stream.indirect.gather [hbm4b:s18+s8], $0x40, s14, s8, $0xb8;
	[tilespmem:$0x14980] =	vst v63  }
0x67: {  	s26 =	simm.s32 $0xE500  }
0x68: {  	[tilespmem:s26], [sflag:$0x1] =	stream.indirect.gather [hbm4b:s18+s8], $0x40, s15, s8, $0xb8;
	[tilespmem:$0x14980] =	vst v63  }
0x69: {  	s28 =	simm.s32 $0x10500  }
0x6a: {  	[tilespmem:s28], [sflag:$0x1] =	stream.indirect.gather [hbm4b:s18+s8], $0x40, s16, s8, $0xb8;
	[tilespmem:$0x14980] =	vst v63  }
0x6b: {  	s29 =	simm.s32 $0x12500;
	s30 =	simm.s32 $0x1  }
0x6c: {  	[tilespmem:s29], [sflag:$0x1] =	stream.indirect.gather [hbm4b:s18+s8], $0x40, s17, s8, $0xb8;
	[tilespmem:$0x14980] =	vst v63  }
0x6d: {  	_ =	swait.ge [sflag:s30], $0x2000  }
0x6e: {  	[sflag:s30] =	ssyncset.done $0x0  }
0x6f: {  	[sflag:s30] =	ssyncadd.s32 $0xFFFFE000  }
0x70: {  	[hbm4b:s10+s5] =	stream.linear.scatter [tilespmem:s19], [sflag:$0x2], $0x2000, $0x38;
	[tilespmem:$0x14980] =	vst v63  }
0x71: {  	_ =	swait.ge [sflag:s30], $0x2000  }
0x72: {  	[sflag:s30] =	ssyncset.done $0x0  }
0x73: {  	s11 =	rddreg [dreg:$0x5];
	[sflag:s30] =	ssyncadd.s32 $0xFFFFE000  }
0x74: {  	[hbm4b:s11+s5] =	stream.linear.scatter [tilespmem:s20], [sflag:$0x2], $0x2000, $0x38;
	[tilespmem:$0x14980] =	vst v63  }
0x75: {  	_ =	swait.ge [sflag:s30], $0x2000  }
0x76: {  	[sflag:s30] =	ssyncset.done $0x0  }
0x77: {  	s2 =	rddreg [dreg:$0x6];
	[sflag:s30] =	ssyncadd.s32 $0xFFFFE000  }
0x78: {  	[hbm4b:s2+s5] =	stream.linear.scatter [tilespmem:s21], [sflag:$0x2], $0x2000, $0x38;
	[tilespmem:$0x14980] =	vst v63  }
0x79: {  	_ =	swait.ge [sflag:s30], $0x2000  }
0x7a: {  	[sflag:s30] =	ssyncset.done $0x0  }
0x7b: {  	s6 =	rddreg [dreg:$0x7];
	[sflag:s30] =	ssyncadd.s32 $0xFFFFE000  }
0x7c: {  	[hbm4b:s6+s5] =	stream.linear.scatter [tilespmem:s22], [sflag:$0x2], $0x2000, $0x38;
	[tilespmem:$0x14980] =	vst v63  }
0x7d: {  	_ =	swait.ge [sflag:s30], $0x2000  }
0x7e: {  	[sflag:s30] =	ssyncset.done $0x0  }
0x7f: {  	s11 =	rddreg [dreg:$0x8];
	[sflag:s30] =	ssyncadd.s32 $0xFFFFE000  }
0x80: {  	[hbm4b:s11+s5] =	stream.linear.scatter [tilespmem:s23], [sflag:$0x2], $0x2000, $0x38;
	[tilespmem:$0x14980] =	vst v63  }
0x81: {  	_ =	swait.ge [sflag:s30], $0x2000  }
0x82: {  	[sflag:s30] =	ssyncset.done $0x0  }
0x83: {  	s2 =	rddreg [dreg:$0x9];
	[sflag:s30] =	ssyncadd.s32 $0xFFFFE000  }
0x84: {  	[hbm4b:s2+s5] =	stream.linear.scatter [tilespmem:s24], [sflag:$0x2], $0x2000, $0x38;
	[tilespmem:$0x14980] =	vst v63  }
0x85: {  	_ =	swait.ge [sflag:s30], $0x2000  }
0x86: {  	[sflag:s30] =	ssyncset.done $0x0  }
0x87: {  	s6 =	rddreg [dreg:$0xa];
	[sflag:s30] =	ssyncadd.s32 $0xFFFFE000  }
0x88: {  	[hbm4b:s6+s5] =	stream.linear.scatter [tilespmem:s25], [sflag:$0x2], $0x2000, $0x38;
	[tilespmem:$0x14980] =	vst v63  }
0x89: {  	_ =	swait.ge [sflag:s30], $0x2000  }
0x8a: {  	[sflag:s30] =	ssyncset.done $0x0  }
0x8b: {  	s0 =	ssub.s32 $0x2, s0;
	s11 =	rddreg [dreg:$0xb];
	[sflag:s30] =	ssyncadd.s32 $0xFFFFE000  }
0x8c: {  	[hbm4b:s11+s5] =	stream.linear.scatter [tilespmem:s26], [sflag:$0x2], $0x2000, $0x38;
	[tilespmem:$0x14980] =	vst v63  }
0x8d: {  	s11 =	sshrl.u32 s0, $0x1  }
0x8e: {  	_ =	swait.ge [sflag:s30], $0x2000;
	s0 =	ssub.s32 s0, s11  }
0x8f: {  	[sflag:s30] =	ssyncset.done $0x0;
	s0 =	smax.u32 s0, $0x1  }
0x90: {  	s2 =	rddreg [dreg:$0xc];
	[sflag:s30] =	ssyncadd.s32 $0xFFFFE000;
	p0 =	sne.s32 s0, $0x1  }
0x91: {  	[hbm4b:s2+s5] =	stream.linear.scatter [tilespmem:s28], [sflag:$0x2], $0x2000, $0x38;
	[tilespmem:$0x14980] =	vst v63  }
.Ltmp0:
0x92: {  	_ =	swait.ge [sflag:s30], $0x2000;
	(pc) =	sbr.rel @!p0 .LBB2_3-.Ltmp0, $4  }
0x93: {  	[sflag:s30] =	ssyncset.done $0x0  }
0x94: {  	s31 =	simm.s32 $0x2;
	s6 =	rddreg [dreg:$0xd];
	[sflag:s30] =	ssyncadd.s32 $0xFFFFE000  }
0x95: {  	[hbm4b:s6+s5] =	stream.linear.scatter [tilespmem:s29], [sflag:$0x2], $0x2000, $0x38;
	[tilespmem:$0x14980] =	vst v63  }
0x96: {  	s1 =	simm.s32 $0x3;
	s0 =	sadd.s32 $0xFFFFFFFF, s0;
	_ =	swait.ge [sflag:s31], $0x2000  }
0x97: {  	s11 =	smov.u32 s10  }
.LBB2_2:
0x98: {  	[sflag:s31] =	ssyncset.done $0x0  }
0x99: {  	[sflag:s31] =	ssyncadd.s32 $0xFFFFE000  }
0x9a: {  	_ =	swait.ge [sflag:s31], $0x2000  }
0x9b: {  	[sflag:s31] =	ssyncset.done $0x0  }
0x9c: {  	[sflag:s31] =	ssyncadd.s32 $0xFFFFE000  }
0x9d: {  	_ =	swait.ge [sflag:s31], $0x2000  }
0x9e: {  	[sflag:s31] =	ssyncset.done $0x0  }
0x9f: {  	[sflag:s31] =	ssyncadd.s32 $0xFFFFE000  }
0xa0: {  	_ =	swait.ge [sflag:s31], $0x2000  }
0xa1: {  	[sflag:s31] =	ssyncset.done $0x0  }
0xa2: {  	[sflag:s31] =	ssyncadd.s32 $0xFFFFE000  }
0xa3: {  	_ =	swait.ge [sflag:s31], $0x2000  }
0xa4: {  	[sflag:s31] =	ssyncset.done $0x0  }
0xa5: {  	[sflag:s31] =	ssyncadd.s32 $0xFFFFE000  }
0xa6: {  	_ =	swait.ge [sflag:s31], $0x2000  }
0xa7: {  	[sflag:s31] =	ssyncset.done $0x0  }
0xa8: {  	[sflag:s31] =	ssyncadd.s32 $0xFFFFE000  }
0xa9: {  	_ =	swait.ge [sflag:s31], $0x2000  }
0xaa: {  	[sflag:s31] =	ssyncset.done $0x0  }
0xab: {  	[sflag:s31] =	ssyncadd.s32 $0xFFFFE000  }
0xac: {  	_ =	swait.ge [sflag:s31], $0x2000  }
0xad: {  	[sflag:s31] =	ssyncset.done $0x0  }
0xae: {  	[sflag:s31] =	ssyncadd.s32 $0xFFFFE000  }
0xaf: {  	_ =	swait.ge [sflag:s31], $0x2000  }
0xb0: {  	[sflag:s31] =	ssyncset.done $0x0  }
0xb1: {  	[sflag:s31] =	ssyncadd.s32 $0xFFFFE000  }
0xb2: {  	_ =	swait.ge [sflag:s31], $0x2000  }
0xb3: {  	[sflag:s31] =	ssyncset.done $0x0  }
0xb4: {  	[sflag:s31] =	ssyncadd.s32 $0xFFFFE000  }
0xb5: {  	_ =	swait.ge [sflag:s1], $0x500  }
0xb6: {  	[sflag:s1] =	ssyncset.done $0x0  }
0xb7: {  	[sflag:s1] =	ssyncadd.s32 $0xFFFFFB00  }
0xb8: {  	[bflag:$0x0] =	sbarrier.arrive $0xFFFF  }
0xb9: {  	s6 =	rddreg [dreg:$0x10]  }
0xba: {  	s10 =	sshrl.u32 s7, $0x3;
	s2 =	rddreg [dreg:$0xf];
	s6 =	sor.u32 $0x1C04, s6  }
0xbb: {  	[hbm:s2], [sflag:s6] =	dma.local [spmem:s10], $0x40  }
0xbc: {  	_ =	swait.ge [sflag:s3], $0x40  }
0xbd: {  	[sflag:s3] =	ssyncset.done $0x0  }
0xbe: {  	s6 =	rddreg [dreg:$0x4];
	[sflag:s3] =	ssyncadd.s32 $0xFFFFFFC0  }
0xbf: {  	[tilespmem:s5], [sflag:$0x4] =	stream.linear.gather [hbm4b:s6+s5], $0x500, $0x38;
	[tilespmem:$0x14980] =	vst v63  }
0xc0: {  	_ =	swait.ge [sflag:s3], $0x500  }
0xc1: {  	[sflag:s3] =	ssyncset.done $0x0  }
0xc2: {  	[sflag:s3] =	ssyncadd.s32 $0xFFFFFB00  }
0xc3: {  	[tilespmem:$0x14770] =	vst v0  }
0xc4: {  	[tilespmem:$0x14760] =	vst v0  }
0xc5: {  	[tilespmem:$0x14750] =	vst v0  }
0xc6: {  	[tilespmem:$0x14740] =	vst v0  }
0xc7: {  	[tilespmem:$0x14730] =	vst v0  }
0xc8: {  	[tilespmem:$0x14720] =	vst v0  }
0xc9: {  	[tilespmem:$0x14710] =	vst v0  }
0xca: {  	[tilespmem:$0x14700] =	vst v0  }
0xcb: {  	[tilespmem:$0x146F0] =	vst v0  }
0xcc: {  	[tilespmem:$0x146E0] =	vst v0  }
0xcd: {  	[tilespmem:$0x146D0] =	vst v0  }
0xce: {  	[tilespmem:$0x146C0] =	vst v0  }
0xcf: {  	[tilespmem:$0x146B0] =	vst v0  }
0xd0: {  	[tilespmem:$0x146A0] =	vst v0  }
0xd1: {  	[tilespmem:$0x14690] =	vst v0  }
0xd2: {  	[tilespmem:$0x14680] =	vst v0  }
0xd3: {  	[tilespmem:$0x14670] =	vst v0  }
0xd4: {  	[tilespmem:$0x14660] =	vst v0  }
0xd5: {  	[tilespmem:$0x14650] =	vst v0  }
0xd6: {  	[tilespmem:$0x14640] =	vst v0  }
0xd7: {  	[tilespmem:$0x14630] =	vst v0  }
0xd8: {  	[tilespmem:$0x14620] =	vst v0  }
0xd9: {  	[tilespmem:$0x14610] =	vst v0  }
0xda: {  	[tilespmem:$0x14600] =	vst v0  }
0xdb: {  	[tilespmem:$0x145F0] =	vst v0  }
0xdc: {  	[tilespmem:$0x145E0] =	vst v0  }
0xdd: {  	[tilespmem:$0x145D0] =	vst v0  }
0xde: {  	[tilespmem:$0x145C0] =	vst v0  }
0xdf: {  	[tilespmem:$0x145B0] =	vst v0  }
0xe0: {  	[tilespmem:$0x145A0] =	vst v0  }
0xe1: {  	[tilespmem:$0x14590] =	vst v0  }
0xe2: {  	[tilespmem:$0x14580] =	vst v0  }
0xe3: {  	[tilespmem:$0x14570] =	vst v1  }
0xe4: {  	[tilespmem:$0x14560] =	vst v1  }
0xe5: {  	[tilespmem:$0x14550] =	vst v1  }
0xe6: {  	[tilespmem:$0x14540] =	vst v1  }
0xe7: {  	[tilespmem:$0x14530] =	vst v1  }
0xe8: {  	[tilespmem:$0x14520] =	vst v1  }
0xe9: {  	[tilespmem:$0x14500] =	vst v1  }
0xea: {  	s10 =	rddreg [dreg:$0xe];
	[tilespmem:$0x14510] =	vst v1  }
0xeb: {  	[spmem:s7] =	stream.linear.scatter [tilespmem:s10], [sflag:$0x4], $0x200, $0x38;
	[tilespmem:$0x14980] =	vst v63  }
0xec: {  	_ =	swait.ge [sflag:s3], $0x200  }
0xed: {  	[sflag:s3] =	ssyncset.done $0x0  }
0xee: {  	[sflag:s3] =	ssyncadd.s32 $0xFFFFFE00  }
0xef: {  	[bflag:$0x0] =	sbarrier.arrive $0xFFFF  }
0xf0: {  	[spmem:s4] =	stream.indirect.scatter.add.s32 [tilespmem:s9], [sflag:$0x3], $0x1, s5, s8, $0xb8;
	[tilespmem:$0x14980] =	vst v63  }
0xf1: {  	_ = 	snop  }
0xf2: {  	[spmem:s4] =	stream.indirect.scatter.add.s32 [tilespmem:s9], [sflag:$0x3], $0x1, s8, s8, $0xb8;
	[tilespmem:$0x14980] =	vst v63  }
0xf3: {  	s6 =	simm.s32 $0x100  }
0xf4: {  	[spmem:s4] =	stream.indirect.scatter.add.s32 [tilespmem:s9], [sflag:$0x3], $0x1, s6, s8, $0xb8;
	[tilespmem:$0x14980] =	vst v63  }
0xf5: {  	s10 =	simm.s32 $0x180  }
0xf6: {  	[spmem:s4] =	stream.indirect.scatter.add.s32 [tilespmem:s9], [sflag:$0x3], $0x1, s10, s8, $0xb8;
	[tilespmem:$0x14980] =	vst v63  }
0xf7: {  	_ = 	snop  }
0xf8: {  	[spmem:s4] =	stream.indirect.scatter.add.s32 [tilespmem:s9], [sflag:$0x3], $0x1, s12, s8, $0xb8;
	[tilespmem:$0x14980] =	vst v63  }
0xf9: {  	_ = 	snop  }
0xfa: {  	[spmem:s4] =	stream.indirect.scatter.add.s32 [tilespmem:s9], [sflag:$0x3], $0x1, s13, s8, $0xb8;
	[tilespmem:$0x14980] =	vst v63  }
0xfb: {  	_ = 	snop  }
0xfc: {  	[spmem:s4] =	stream.indirect.scatter.add.s32 [tilespmem:s9], [sflag:$0x3], $0x1, s14, s8, $0xb8;
	[tilespmem:$0x14980] =	vst v63  }
0xfd: {  	_ = 	snop  }
0xfe: {  	[spmem:s4] =	stream.indirect.scatter.add.s32 [tilespmem:s9], [sflag:$0x3], $0x1, s15, s8, $0xb8;
	[tilespmem:$0x14980] =	vst v63  }
0xff: {  	_ = 	snop  }
0x100: {  	[spmem:s4] =	stream.indirect.scatter.add.s32 [tilespmem:s9], [sflag:$0x3], $0x1, s16, s8, $0xb8;
	[tilespmem:$0x14980] =	vst v63  }
0x101: {  	_ = 	snop  }
0x102: {  	[spmem:s4] =	stream.indirect.scatter.add.s32 [tilespmem:s9], [sflag:$0x3], $0x1, s17, s8, $0xb8;
	[tilespmem:$0x14980] =	vst v63  }
0x103: {  	_ = 	snop  }
0x104: {  	[tilespmem:s19], [sflag:$0x1] =	stream.indirect.gather [hbm4b:s18+s8], $0x40, s5, s8, $0xb8;
	[tilespmem:$0x14980] =	vst v63  }
0x105: {  	_ = 	snop  }
0x106: {  	[tilespmem:s20], [sflag:$0x1] =	stream.indirect.gather [hbm4b:s18+s8], $0x40, s8, s8, $0xb8;
	[tilespmem:$0x14980] =	vst v63  }
0x107: {  	_ = 	snop  }
0x108: {  	[tilespmem:s21], [sflag:$0x1] =	stream.indirect.gather [hbm4b:s18+s8], $0x40, s6, s8, $0xb8;
	[tilespmem:$0x14980] =	vst v63  }
0x109: {  	_ = 	snop  }
0x10a: {  	[tilespmem:s22], [sflag:$0x1] =	stream.indirect.gather [hbm4b:s18+s8], $0x40, s10, s8, $0xb8;
	[tilespmem:$0x14980] =	vst v63  }
0x10b: {  	_ = 	snop  }
0x10c: {  	[tilespmem:s23], [sflag:$0x1] =	stream.indirect.gather [hbm4b:s18+s8], $0x40, s12, s8, $0xb8;
	[tilespmem:$0x14980] =	vst v63  }
0x10d: {  	_ = 	snop  }
0x10e: {  	[tilespmem:s24], [sflag:$0x1] =	stream.indirect.gather [hbm4b:s18+s8], $0x40, s13, s8, $0xb8;
	[tilespmem:$0x14980] =	vst v63  }
0x10f: {  	_ = 	snop  }
0x110: {  	[tilespmem:s25], [sflag:$0x1] =	stream.indirect.gather [hbm4b:s18+s8], $0x40, s14, s8, $0xb8;
	[tilespmem:$0x14980] =	vst v63  }
0x111: {  	_ = 	snop  }
0x112: {  	[tilespmem:s26], [sflag:$0x1] =	stream.indirect.gather [hbm4b:s18+s8], $0x40, s15, s8, $0xb8;
	[tilespmem:$0x14980] =	vst v63  }
0x113: {  	_ = 	snop  }
0x114: {  	[tilespmem:s28], [sflag:$0x1] =	stream.indirect.gather [hbm4b:s18+s8], $0x40, s16, s8, $0xb8;
	[tilespmem:$0x14980] =	vst v63  }
0x115: {  	_ = 	snop  }
0x116: {  	[tilespmem:s29], [sflag:$0x1] =	stream.indirect.gather [hbm4b:s18+s8], $0x40, s17, s8, $0xb8;
	[tilespmem:$0x14980] =	vst v63  }
0x117: {  	_ =	swait.ge [sflag:s30], $0x2000  }
0x118: {  	[sflag:s30] =	ssyncset.done $0x0  }
0x119: {  	[sflag:s30] =	ssyncadd.s32 $0xFFFFE000  }
0x11a: {  	[hbm4b:s11+s5] =	stream.linear.scatter [tilespmem:s19], [sflag:$0x2], $0x2000, $0x38;
	[tilespmem:$0x14980] =	vst v63  }
0x11b: {  	_ =	swait.ge [sflag:s30], $0x2000  }
0x11c: {  	[sflag:s30] =	ssyncset.done $0x0  }
0x11d: {  	s10 =	rddreg [dreg:$0x5];
	[sflag:s30] =	ssyncadd.s32 $0xFFFFE000  }
0x11e: {  	[hbm4b:s10+s5] =	stream.linear.scatter [tilespmem:s20], [sflag:$0x2], $0x2000, $0x38;
	[tilespmem:$0x14980] =	vst v63  }
0x11f: {  	_ =	swait.ge [sflag:s30], $0x2000  }
0x120: {  	[sflag:s30] =	ssyncset.done $0x0  }
0x121: {  	s6 =	rddreg [dreg:$0x6];
	[sflag:s30] =	ssyncadd.s32 $0xFFFFE000  }
0x122: {  	[hbm4b:s6+s5] =	stream.linear.scatter [tilespmem:s21], [sflag:$0x2], $0x2000, $0x38;
	[tilespmem:$0x14980] =	vst v63  }
0x123: {  	_ =	swait.ge [sflag:s30], $0x2000  }
0x124: {  	[sflag:s30] =	ssyncset.done $0x0  }
0x125: {  	s10 =	rddreg [dreg:$0x7];
	[sflag:s30] =	ssyncadd.s32 $0xFFFFE000  }
0x126: {  	[hbm4b:s10+s5] =	stream.linear.scatter [tilespmem:s22], [sflag:$0x2], $0x2000, $0x38;
	[tilespmem:$0x14980] =	vst v63  }
0x127: {  	_ =	swait.ge [sflag:s30], $0x2000  }
0x128: {  	[sflag:s30] =	ssyncset.done $0x0  }
0x129: {  	s6 =	rddreg [dreg:$0x8];
	[sflag:s30] =	ssyncadd.s32 $0xFFFFE000  }
0x12a: {  	[hbm4b:s6+s5] =	stream.linear.scatter [tilespmem:s23], [sflag:$0x2], $0x2000, $0x38;
	[tilespmem:$0x14980] =	vst v63  }
0x12b: {  	_ =	swait.ge [sflag:s30], $0x2000  }
0x12c: {  	[sflag:s30] =	ssyncset.done $0x0  }
0x12d: {  	s10 =	rddreg [dreg:$0x9];
	[sflag:s30] =	ssyncadd.s32 $0xFFFFE000  }
0x12e: {  	[hbm4b:s10+s5] =	stream.linear.scatter [tilespmem:s24], [sflag:$0x2], $0x2000, $0x38;
	[tilespmem:$0x14980] =	vst v63  }
0x12f: {  	_ =	swait.ge [sflag:s30], $0x2000  }
0x130: {  	[sflag:s30] =	ssyncset.done $0x0  }
0x131: {  	s6 =	rddreg [dreg:$0xa];
	[sflag:s30] =	ssyncadd.s32 $0xFFFFE000  }
0x132: {  	[hbm4b:s6+s5] =	stream.linear.scatter [tilespmem:s25], [sflag:$0x2], $0x2000, $0x38;
	[tilespmem:$0x14980] =	vst v63  }
0x133: {  	_ =	swait.ge [sflag:s30], $0x2000  }
0x134: {  	[sflag:s30] =	ssyncset.done $0x0  }
0x135: {  	s10 =	rddreg [dreg:$0xb];
	[sflag:s30] =	ssyncadd.s32 $0xFFFFE000  }
0x136: {  	[hbm4b:s10+s5] =	stream.linear.scatter [tilespmem:s26], [sflag:$0x2], $0x2000, $0x38;
	[tilespmem:$0x14980] =	vst v63  }
0x137: {  	_ =	swait.ge [sflag:s30], $0x2000  }
0x138: {  	[sflag:s30] =	ssyncset.done $0x0  }
0x139: {  	p0 =	sne.s32 s0, $0x1;
	s6 =	rddreg [dreg:$0xc];
	[sflag:s30] =	ssyncadd.s32 $0xFFFFE000  }
0x13a: {  	[hbm4b:s6+s5] =	stream.linear.scatter [tilespmem:s28], [sflag:$0x2], $0x2000, $0x38;
	[tilespmem:$0x14980] =	vst v63  }
.Ltmp1:
0x13b: {  	_ =	swait.ge [sflag:s30], $0x2000;
	(pc) =	sbr.rel @p0 .LBB2_2-.Ltmp1, $4  }
0x13c: {  	[sflag:s30] =	ssyncset.done $0x0  }
0x13d: {  	s10 =	rddreg [dreg:$0xd];
	[sflag:s30] =	ssyncadd.s32 $0xFFFFE000  }
0x13e: {  	[hbm4b:s10+s5] =	stream.linear.scatter [tilespmem:s29], [sflag:$0x2], $0x2000, $0x38;
	[tilespmem:$0x14980] =	vst v63  }
0x13f: {  	s0 =	sadd.s32 $0xFFFFFFFF, s0;
	_ =	swait.ge [sflag:s31], $0x2000  }
.LBB2_3:
0x140: {  	[sflag:s31] =	ssyncset.done $0x0  }
0x141: {  	[sflag:s31] =	ssyncadd.s32 $0xFFFFE000  }
0x142: {  	_ =	swait.ge [sflag:s31], $0x2000  }
0x143: {  	[sflag:s31] =	ssyncset.done $0x0  }
0x144: {  	[sflag:s31] =	ssyncadd.s32 $0xFFFFE000  }
0x145: {  	_ =	swait.ge [sflag:s31], $0x2000  }
0x146: {  	[sflag:s31] =	ssyncset.done $0x0  }
0x147: {  	[sflag:s31] =	ssyncadd.s32 $0xFFFFE000  }
0x148: {  	_ =	swait.ge [sflag:s31], $0x2000  }
0x149: {  	[sflag:s31] =	ssyncset.done $0x0  }
0x14a: {  	[sflag:s31] =	ssyncadd.s32 $0xFFFFE000  }
0x14b: {  	_ =	swait.ge [sflag:s31], $0x2000  }
0x14c: {  	[sflag:s31] =	ssyncset.done $0x0  }
0x14d: {  	[sflag:s31] =	ssyncadd.s32 $0xFFFFE000  }
0x14e: {  	_ =	swait.ge [sflag:s31], $0x2000  }
0x14f: {  	[sflag:s31] =	ssyncset.done $0x0  }
0x150: {  	[sflag:s31] =	ssyncadd.s32 $0xFFFFE000  }
0x151: {  	_ =	swait.ge [sflag:s31], $0x2000  }
0x152: {  	[sflag:s31] =	ssyncset.done $0x0  }
0x153: {  	[sflag:s31] =	ssyncadd.s32 $0xFFFFE000  }
0x154: {  	_ =	swait.ge [sflag:s31], $0x2000  }
0x155: {  	[sflag:s31] =	ssyncset.done $0x0  }
0x156: {  	[sflag:s31] =	ssyncadd.s32 $0xFFFFE000  }
0x157: {  	_ =	swait.ge [sflag:s31], $0x2000  }
0x158: {  	[sflag:s31] =	ssyncset.done $0x0  }
0x159: {  	[sflag:s31] =	ssyncadd.s32 $0xFFFFE000  }
0x15a: {  	_ =	swait.ge [sflag:s31], $0x2000  }
0x15b: {  	[sflag:s31] =	ssyncset.done $0x0  }
0x15c: {  	[sflag:s31] =	ssyncadd.s32 $0xFFFFE000  }
0x15d: {  	_ =	swait.ge [sflag:s1], $0x500  }
0x15e: {  	[sflag:s1] =	ssyncset.done $0x0  }
0x15f: {  	[sflag:s1] =	ssyncadd.s32 $0xFFFFFB00  }
0x160: {  	[bflag:$0x0] =	sbarrier.arrive $0xFFFF  }
0x161: {  	s30 =	rddreg [dreg:$0x10]  }
0x162: {  	s2 =	sshrl.u32 s7, $0x3;
	s0 =	rddreg [dreg:$0xf];
	s1 =	sor.u32 $0x1C04, s30  }
0x163: {  	[hbm:s0], [sflag:s1] =	dma.local [spmem:s2], $0x40  }
0x164: {  	_ =	swait.ge [sflag:s3], $0x40  }
0x165: {  	[sflag:s3] =	ssyncset.done $0x0  }
0x166: {  	[sflag:s3] =	ssyncadd.s32 $0xFFFFFFC0  }
0x167: {  	_ =	sfence.sel $0x180000  }
0x168: {  	[bflag:$0x0] =	sbarrier.arrive $0xFFFF  }
0x169: {  	_ =	strace $0x90000047  }
0x16a: {  	s31 =	stileid.u32;
	[bflag:$0x2] =	sbarrier.arrive $0xFFFF  }
0x16b: {  	p0 =	sne.s32 s31, $0x0;
	s0 =	rddreg [dreg:$0x3]  }
0x16c: {  	s0 =	sadd.s32 @!p0 $0x100000, s0  }
0x16d: {  	[sflag:s0] =	ssyncadd.tile.s32 @!p0 $0x1;
	_ =	shalt  }
.Lfunc_end2:
_tile_overlayer_lowered:
.L_overlay_start_2:
0x16e: {  	(tag) =	ssettag $0x2  }
0x16f: {  	s0 =	rddreg [dreg:$0x0];
	s2 =	stileid.u32  }
0x170: {  	s1 =	rddreg [dreg:$0x1];
	p0 =	sne.s32 s2, $0x0  }
0x171: {  	s3 =	rddreg [dreg:$0x2];
	[bflag:$0x3] =	sbarrier.arrive $0xFFFF;
	s2 =	simm.s32 @!p0 $0x1C04  }
0x172: {  	[timem:s3], [sflag:s2] =	dma.local @!p0 [hbm:s0], s1  }
0x173: {  	s0 =	simm.s32 @!p0 $0x4  }
0x174: {  	_ =	swait.ge @!p0 [sflag:s0], s1  }
0x175: {  	s1 =	ssub.s32 @!p0 $0x0, s1;
	[sflag:s0] =	ssyncset.done @!p0 $0x0  }
0x176: {  	[sflag:s0] =	ssyncadd.s32 @!p0 s1  }
0x177: {  	[bflag:$0x3] =	sbarrier.arrive $0xFFFF  }
0x178: {  	_ =	shalt  }

// kernel: kernel.9.cloned.1.call-start
scs
__scs_entry_jumppad:
0x0: {  	(pc) =	sbr.rel $0x88, $3  }
0x1: {  	(tag) =	ssettag $0x0;
	lr =	simm.s32 $0x1  }
0x2: {  	[smem:$0x3F9E] =	sst lr;
	_ =	strace $0xD0000000  }
0x3: {  	_ = 	snop  }
0x4: {  	_ = 	snop  }
0x5: {  	_ = 	snop  }
0x6: {  	_ = 	snop  }
0x7: {  	_ = 	snop  }
__scs_overlays_trampoline_lowered:
0x8: {  	[smem:$0x3FAD] =	sst s0  }
0x9: {  	[smem:$0x3FAE] =	sst s1  }
0xa: {  	[smem:$0x3FAF] =	sst s2  }
0xb: {  	[smem:$0x3FB0] =	sst s3  }
0xc: {  	[smem:$0x3FB1] =	sst s4  }
0xd: {  	[smem:$0x3FB2] =	sst s5  }
0xe: {  	[smem:$0x3FB3] =	sst s6  }
0xf: {  	[smem:$0x3FB4] =	sst s7  }
0x10: {  	[smem:$0x3FB5] =	sst s8  }
0x11: {  	[smem:$0x3FB6] =	sst s9;
	s0 =	simm.s32 @!p0 $0x0  }
0x12: {  	s1 =	sld [smem:$0x3F9C];
	s0 =	simm.s32 @p0 $0x1  }
0x13: {  	[smem:$0x3FB7] =	sst s0;
	s0 =	simm.s32 @!p1 $0x0  }
0x14: {  	s2 =	sld [smem:$0x3F9B];
	s0 =	simm.s32 @p1 $0x1  }
0x15: {  	[smem:$0x3FB8] =	sst s0;
	s0 =	simm.s32 @!p2 $0x0  }
0x16: {  	s3 =	sld [smem:$0x3FDB];
	s0 =	simm.s32 @p2 $0x1  }
0x17: {  	s4 =	simm.s32 $0x1BF5;
	[smem:$0x3FBA] =	sst s0  }
0x18: {  	s0 =	sld [smem:$0x3F9D];
	_ =	swait.ge [sflag:s4], $0x0  }
0x19: {  	s7 =	sld [smem:$0x3F9E]  }
0x1a: {  	s8 =	sadd.s32 $0xFFFFE003, lr  }
0x1b: {  	s9 =	sadd.s32 $0xFFFFFEF7, lr;
	s5 =	simm.s32 $0xFFFFFFFF;
	p2 =	slt.u32 s8, $0xFFFFF086  }
0x1c: {  	p1 =	slt.u32 s9, $0xF7A;
	s5 =	simm.s32 @!p2 $0x0  }
0x1d: {  	s5 =	simm.s32 @p1 $0x1;
	p0 =	seq.s32 s7, s2  }
0x1e: {  	s7 =	smul.u32 @!p0 $0xF7A, s2;
	p2 =	seq.s32 @!p0 s5, $0x0  }
0x1f: {  	s9 =	smul.u32 $0xF7A, s1;
	s8 =	simm.s32 @!p0 $0x1BF5;
	p2 =	por !p2, p0  }
0x20: {  	[sflag:s8] =	ssyncset.s32 @!p0 $0xFFFFF086;
	s6 =	sadd.s32 @!p0 s3, s7;
	s7 =	simm.s32 @!p0 $0x108  }
0x21: {  	s3 =	sadd.s32 s3, s9;
	s6 =	sadd.s32 @!p0 $0x88, s6;
	s7 =	simm.s32 @p2 $0x1082  }
0x22: {  	[simem:s7], [sflag:s8] =	dma.local @!p0 [hbm:s6], $0xF7A  }
0x23: {  	s9 =	sor.u32 $0xD0000000, s2;
	s6 =	simm.s32 $0x108;
	_ =	swait.ge @!p0 [sflag:s8], $0x0  }
0x24: {  	s3 =	sadd.s32 $0x88, s3;
	s6 =	simm.s32 @!p1 $0x1082;
	[sflag:s4] =	ssyncset.s32 $0xFFFFF086  }
0x25: {  	[simem:s6], [sflag:s4] =	dma.local [hbm:s3], $0xF7A  }
0x26: {  	[smem:$0x3F9E] =	sst s1;
	(tag) =	ssettag s2;
	_ =	strace s9  }
0x27: {  	s1 =	sld [smem:$0x3FAE]  }
0x28: {  	s2 =	sld [smem:$0x3FAF]  }
0x29: {  	s4 =	sld [smem:$0x3FB1]  }
0x2a: {  	p0 =	seq.s32 s5, $0x0;
	s5 =	sld [smem:$0x3FB2]  }
0x2b: {  	s6 =	sld [smem:$0x3FB3]  }
0x2c: {  	s7 =	sld [smem:$0x3FB4]  }
0x2d: {  	s3 =	simm.s32 $0x108;
	s8 =	sld [smem:$0x3FB5]  }
0x2e: {  	s3 =	simm.s32 @!p0 $0x1082;
	s9 =	sld [smem:$0x3FB6]  }
0x2f: {  	lr =	sadd.s32 s0, s3;
	s0 =	sld [smem:$0x3FAD]  }
0x30: {  	s3 =	sld [smem:$0x3FB0]  }
0x31: {  	[smem:$0x3FB9] =	sst s10  }
0x32: {  	s10 =	sld [smem:$0x3FB7];
	_ =	sdelay $0x3  }
0x33: {  	p0 =	seq.s32 s10, $0x1;
	s10 =	sld [smem:$0x3FB9];
	_ =	sdelay $0x3  }
0x34: {  	[smem:$0x3FB9] =	sst s10  }
0x35: {  	s10 =	sld [smem:$0x3FB8];
	_ =	sdelay $0x3  }
0x36: {  	p1 =	seq.s32 s10, $0x1;
	s10 =	sld [smem:$0x3FB9];
	_ =	sdelay $0x3  }
0x37: {  	[smem:$0x3FB9] =	sst s10  }
0x38: {  	s10 =	sld [smem:$0x3FBA]  }
0x39: {  	_ = 	snop;
	(pc) =	sbr.ind lr, $3  }
0x3a: {  	_ = 	snop  }
0x3b: {  	_ = 	snop  }
0x3c: {  	p2 =	seq.s32 s10, $0x1;
	s10 =	sld [smem:$0x3FB9]  }
0x3d: {  	_ =	shalt  }
0x3e: {  	_ =	shalt  }
0x3f: {  	_ =	shalt  }
0x40: {  	_ =	shalt  }
0x41: {  	_ =	shalt  }
0x42: {  	_ =	shalt  }
0x43: {  	_ =	shalt  }
0x44: {  	_ =	shalt  }
0x45: {  	_ =	shalt  }
0x46: {  	_ =	shalt  }
0x47: {  	_ =	shalt  }
0x48: {  	_ =	shalt  }
0x49: {  	_ =	shalt  }
0x4a: {  	_ =	shalt  }
0x4b: {  	_ =	shalt  }
0x4c: {  	_ =	shalt  }
0x4d: {  	_ =	shalt  }
0x4e: {  	_ =	shalt  }
0x4f: {  	_ =	shalt  }
0x50: {  	_ =	shalt  }
0x51: {  	_ =	shalt  }
0x52: {  	_ =	shalt  }
0x53: {  	_ =	shalt  }
0x54: {  	_ =	shalt  }
0x55: {  	_ =	shalt  }
0x56: {  	_ =	shalt  }
0x57: {  	_ =	shalt  }
0x58: {  	_ =	shalt  }
0x59: {  	_ =	shalt  }
0x5a: {  	_ =	shalt  }
0x5b: {  	_ =	shalt  }
0x5c: {  	_ =	shalt  }
0x5d: {  	_ =	shalt  }
0x5e: {  	_ =	shalt  }
0x5f: {  	_ =	shalt  }
0x60: {  	_ =	shalt  }
0x61: {  	_ =	shalt  }
0x62: {  	_ =	shalt  }
0x63: {  	_ =	shalt  }
0x64: {  	_ =	shalt  }
0x65: {  	_ =	shalt  }
0x66: {  	_ =	shalt  }
0x67: {  	_ =	shalt  }
0x68: {  	_ =	shalt  }
0x69: {  	_ =	shalt  }
0x6a: {  	_ =	shalt  }
0x6b: {  	_ =	shalt  }
0x6c: {  	_ =	shalt  }
0x6d: {  	_ =	shalt  }
0x6e: {  	_ =	shalt  }
0x6f: {  	_ =	shalt  }
0x70: {  	_ =	shalt  }
0x71: {  	_ =	shalt  }
0x72: {  	_ =	shalt  }
0x73: {  	_ =	shalt  }
0x74: {  	_ =	shalt  }
0x75: {  	_ =	shalt  }
0x76: {  	_ =	shalt  }
0x77: {  	_ =	shalt  }
0x78: {  	_ =	shalt  }
0x79: {  	_ =	shalt  }
0x7a: {  	_ =	shalt  }
0x7b: {  	_ =	shalt  }
0x7c: {  	_ =	shalt  }
0x7d: {  	_ =	shalt  }
0x7e: {  	_ =	shalt  }
0x7f: {  	_ =	shalt  }
0x80: {  	_ =	shalt  }
0x81: {  	_ =	shalt  }
0x82: {  	_ =	shalt  }
0x83: {  	_ =	shalt  }
0x84: {  	_ =	shalt  }
0x85: {  	_ =	shalt  }
0x86: {  	_ =	shalt  }
0x87: {  	_ =	shalt  }
.Lfunc_end0:
.L_simem_size_0:
called_computation.1_lowered:
.L_overlay_start_0:
0x88: {  	s2 =	sld [smem:$0x3FD9]  }
0x89: {  	s3 =	sld [smem:$0x3FFE];
	_ =	sdelay $0x1  }
0x8a: {  	s1 =	srdreg.scid  }
0x8b: {  	s0 =	sand.u32 $0x1, s1  }
0x8c: {  	s17 =	sshll.u32 s0, $0xA;
	s2 =	sadd.s32 s3, s2  }
0x8d: {  	s2 =	sadd.s32 s2, s17  }
0x8e: {  	[smem:$0x3FC5] =	sst s2  }
0x8f: {  	_ = 	snop  }
0x90: {  	(tm) =	ssettm $0x1  }
0x91: {  	s18 =	sld [smem:$0x3FFB];
	_ =	sdelay $0x3  }
0x92: {  	_ =	strace s18  }
0x93: {  	s2 =	sld [smem:$0x3FFC];
	_ =	sdelay $0x3  }
0x94: {  	_ =	strace s2  }
0x95: {  	s2 =	sld [smem:$0x3FFD];
	_ =	sdelay $0x3  }
0x96: {  	_ =	strace s2  }
0x97: {  	_ =	strace $0x8FFFFFFF  }
0x98: {  	s19 =	sld [smem:$0x3FDB];
	_ =	sdelay $0x1  }
0x99: {  	s20 =	simm.s32 $_scs_section_size  }
0x9a: {  	s4 =	simm.s32 $_size__tile_overlayer_lowered;
	s5 =	simm.s32 $_tile_overlayer_lowered  }
0x9b: {  	s6 =	simm.s32 $0x1BFF;
	s21 =	sshll.u32 s5, $0x1;
	s3 =	sadd.s32 s20, s19  }
0x9c: {  	s22 =	simm.s32 $0x0;
	s4 =	sshll.u32 s4, $0x1;
	s5 =	sadd.s32 s21, s3  }
0x9d: {  	[timem:s22], [sflag:s6] =	dma.local [hbm:s5], s4  }
0x9e: {  	_ =	swait.ge [sflag:s6], s4  }
0x9f: {  	s4 =	ssub.s32 $0x0, s4;
	[sflag:s6] =	ssyncset.done $0x0  }
0xa0: {  	[sflag:s6] =	ssyncadd.s32 s4;
	_ =	sdelay $0x1  }
0xa1: {  	s23 =	simm.s32 $0x1B8B  }
0xa2: {  	_ =	swait.ge [sflag:s23], $0x1  }
0xa3: {  	[sflag:s23] =	ssyncset.done $0x0  }
0xa4: {  	[sflag:s23] =	ssyncadd.s32 $0xFFFFFFFF  }
0xa5: {  	s4 =	sld [smem:$0x0]  }
0xa6: {  	s5 =	sand.u32 $0xFFFFFFFE, s1  }
0xa7: {  	p0 =	sne.s32 s1, s5  }
0xa8: {  	s5 =	sshll.u32 @p0 s5, $0xE  }
0xa9: {  	s5 =	sadd.s32 @p0 $0x11B8D, s5;
	s6 =	sshll.u32 @p0 s4, $0x11  }
0xaa: {  	s5 =	sor.u32 @p0 s6, s5  }
0xab: {  	[sflag:s5] =	ssyncadd.remote.s32 @p0 $0x1;
	_ =	sdelay $0x1  }
0xac: {  	s5 =	simm.s32 @p0 $0x1B8D  }
0xad: {  	_ =	swait.eq @p0 [sflag:s5], $0x1  }
0xae: {  	[sflag:s5] =	ssyncadd.s32 @p0 $0xFFFFFFFF  }
0xaf: {  	s6 =	sshll.u32 @!p0 s1, $0xE  }
0xb0: {  	s6 =	sor.u32 @!p0 $0x4000, s6;
	s5 =	simm.s32 @!p0 $0x1B8D  }
0xb1: {  	s4 =	sshll.u32 @!p0 s4, $0x11;
	s6 =	sadd.s32 @!p0 $0x11B8D, s6;
	_ =	swait.eq @!p0 [sflag:s5], $0x1  }
0xb2: {  	s4 =	sor.u32 @!p0 s4, s6;
	[sflag:s5] =	ssyncadd.s32 @!p0 $0xFFFFFFFF  }
0xb3: {  	s25 =	simm.s32 $0x1B8E;
	s24 =	sld [smem:$0x3FFE];
	[sflag:s4] =	ssyncadd.remote.s32 @!p0 $0x1  }
0xb4: {  	s26 =	simm.s32 $execute0_lowered;
	[smem:$0x3FD2] =	sst s25  }
0xb5: {  	s5 =	sshll.u32 s26, $0x1;
	_ =	strace $0x80000049;
	[dreg:$0x1] =	wrdreg $0xFFFFFFFF  }
0xb6: {  	s28 =	simm.s32 $_size_execute0_lowered;
	s3 =	sadd.s32 s3, s5;
	[dreg:$0x0] =	wrdreg $0x0  }
0xb7: {  	s5 =	sshll.u32 s28, $0x1;
	[dreg:$0x2] =	wrdreg s3  }
0xb8: {  	[dreg:$0x3] =	wrdreg s5  }
0xb9: {  	[dreg:$0x4] =	wrdreg $0xC0  }
0xba: {  	_ =	task [dreg:s22], $0x5FFFF  }
0xbb: {  	[dreg:$0x1] =	wrdreg $0xFFFFFFFF  }
0xbc: {  	[dreg:$0x0] =	wrdreg $0x60  }
0xbd: {  	[dreg:$0x2] =	wrdreg s24  }
0xbe: {  	[dreg:$0x3] =	wrdreg $0xC5800  }
0xbf: {  	[dreg:$0x4] =	wrdreg $0xA  }
0xc0: {  	_ =	task.clear_ibuf [dreg:s22], $0x5FFFF;
	_ =	strace $0x90000049  }
0xc1: {  	s29 =	simm.s32 $0xA;
	_ =	strace $0x8000004B  }
0xc2: {  	_ =	swait.ge [sflag:s29], $0x1  }
0xc3: {  	[sflag:s29] =	ssyncadd.s32 $0xFFFFFFFF  }
0xc4: {  	_ =	strace $0x9000004B  }
0xc5: {  	_ =	sfence  }
0xc6: {  	s30 =	sld [smem:$0x0];
	_ =	sdelay $0x2  }
0xc7: {  	s31 =	sshll.u32 s1, $0xD;
	s1 =	sshrl.u32 s1, $0x2  }
0xc8: {  	s4 =	sand.u32 $0x4000, s31;
	s1 =	sadd.s32 s1, s30  }
0xc9: {  	s0 =	sor.u32 s4, s0;
	s1 =	sshll.u32 s1, $0x11  }
0xca: {  	s0 =	sor.u32 s1, s0  }
0xcb: {  	s0 =	sadd.s32 $0x8F2B, s0  }
0xcc: {  	[sflag:s0] =	ssyncadd.remote.s32 $0x1  }
0xcd: {  	_ =	sfence.sel $0xFFFF  }
0xce: {  	[dreg:$0x0] =	wrdreg $0xFFFFFFFF;
	(pc) =	sbr.abs _section_cstart, $3  }
0xcf: {  	[dreg:$0x1] =	wrdreg $0xFFFFFFFF  }
0xd0: {  	_ =	task.clear_ibuf [dreg:s22], $0x2FFFF;
	_ =	strace $0x9FFFFFFF  }
0xd1: {  	(tm) =	ssettm $0x7FFFFFFF  }
tec
execute0_lowered:
.L_overlay_start_1:
0x0: {  	(tag) =	ssettag $0x1  }
0x1: {  	s1 =	srdreg.scid;
	s0 =	stileid.u32  }
0x2: {  	s23 =	sand.u32 $0x1, s1;
	s25 =	sshll.u32 s0, $0x1  }
0x3: {  	s2 =	sor.u32 s23, s25  }
0x4: {  	s5 =	smul.u32 $0x60, s2  }
0x5: {  	s9 =	rddreg [dreg:$0x0];
	s2 =	smul.u32 $0x1800, s2  }
0x6: {  	s4 =	rddreg [dreg:$0x1];
	s3 =	simm.s32 $0x0;
	s5 =	sadd.s32 s5, s9  }
0x7: {  	[smem:$0x7FF] =	sst s3;
	s14 =	sadd.s32 s2, s9;
	s5 =	sadd.s32 $0x13A00, s5  }
0x8: {  	_ =	strace $0x8000004A;
	s2 =	sadd.s32 $0x14600, s14;
	[dreg:$0x3] =	wrdreg s5  }
0x9: {  	s26 =	sadd.s32 $0x14A00, s14;
	[dreg:$0x4] =	wrdreg s2  }
0xa: {  	[dreg:$0x5] =	wrdreg s26  }
0xb: {  	s2 =	simm.s32 $0x4;
	s5 =	rddreg [dreg:$0x3]  }
0xc: {  	[tilespmem:s3], [sflag:$0x4] =	stream.linear.gather [hbm4b:s5+s3], $0x300, $0x38;
	[tilespmem:$0xC780] =	vst v63  }
0xd: {  	_ =	swait.ge [sflag:s2], $0x300  }
0xe: {  	[sflag:s2] =	ssyncset.done $0x0  }
0xf: {  	v0 =	vimm.s32 $0x0;
	[sflag:s2] =	ssyncadd.s32 $0xFFFFFD00  }
0x10: {  	[tilespmem:$0xC570] =	vst v0  }
0x11: {  	[tilespmem:$0xC560] =	vst v0  }
0x12: {  	[tilespmem:$0xC550] =	vst v0  }
0x13: {  	[tilespmem:$0xC540] =	vst v0  }
0x14: {  	[tilespmem:$0xC530] =	vst v0  }
0x15: {  	[tilespmem:$0xC520] =	vst v0  }
0x16: {  	[tilespmem:$0xC510] =	vst v0  }
0x17: {  	[tilespmem:$0xC500] =	vst v0  }
0x18: {  	[tilespmem:$0xC4F0] =	vst v0  }
0x19: {  	[tilespmem:$0xC4E0] =	vst v0  }
0x1a: {  	[tilespmem:$0xC4D0] =	vst v0  }
0x1b: {  	[tilespmem:$0xC4C0] =	vst v0  }
0x1c: {  	[tilespmem:$0xC4B0] =	vst v0  }
0x1d: {  	[tilespmem:$0xC4A0] =	vst v0  }
0x1e: {  	[tilespmem:$0xC490] =	vst v0  }
0x1f: {  	[tilespmem:$0xC480] =	vst v0  }
0x20: {  	[tilespmem:$0xC470] =	vst v0  }
0x21: {  	[tilespmem:$0xC460] =	vst v0  }
0x22: {  	[tilespmem:$0xC450] =	vst v0  }
0x23: {  	[tilespmem:$0xC440] =	vst v0  }
0x24: {  	[tilespmem:$0xC430] =	vst v0  }
0x25: {  	[tilespmem:$0xC420] =	vst v0  }
0x26: {  	[tilespmem:$0xC410] =	vst v0  }
0x27: {  	[tilespmem:$0xC400] =	vst v0  }
0x28: {  	[tilespmem:$0xC3F0] =	vst v0  }
0x29: {  	[tilespmem:$0xC3E0] =	vst v0  }
0x2a: {  	[tilespmem:$0xC3D0] =	vst v0  }
0x2b: {  	[tilespmem:$0xC3C0] =	vst v0  }
0x2c: {  	[tilespmem:$0xC3B0] =	vst v0  }
0x2d: {  	[tilespmem:$0xC3A0] =	vst v0  }
0x2e: {  	[tilespmem:$0xC390] =	vst v0  }
0x2f: {  	v1 =	vimm.s32 $0x1;
	[tilespmem:$0xC380] =	vst v0  }
0x30: {  	[tilespmem:$0xC370] =	vst v1  }
0x31: {  	[tilespmem:$0xC360] =	vst v1  }
0x32: {  	[tilespmem:$0xC350] =	vst v1  }
0x33: {  	[tilespmem:$0xC340] =	vst v1  }
0x34: {  	[tilespmem:$0xC330] =	vst v1  }
0x35: {  	[tilespmem:$0xC320] =	vst v1  }
0x36: {  	s31 =	sshll.u32 s0, $0x9;
	[tilespmem:$0xC300] =	vst v1  }
0x37: {  	s6 =	simm.s32 $0xC380;
	s5 =	sadd.s32 s31, s4;
	[tilespmem:$0xC310] =	vst v1  }
0x38: {  	[spmem:s5] =	stream.linear.scatter [tilespmem:s6], [sflag:$0x4], $0x200, $0x38;
	[tilespmem:$0xC780] =	vst v63  }
0x39: {  	_ =	swait.ge [sflag:s2], $0x200  }
0x3a: {  	[sflag:s2] =	ssyncset.done $0x0  }
0x3b: {  	[sflag:s2] =	ssyncadd.s32 $0xFFFFFE00  }
0x3c: {  	s7 =	simm.s32 $0x80;
	s8 =	simm.s32 $0xC300;
	[bflag:$0x0] =	sbarrier.arrive $0xFFFF  }
0x3d: {  	[spmem:s4] =	stream.indirect.scatter.add.s32 [tilespmem:s8], [sflag:$0x3], $0x1, s3, s7, $0xb8;
	[tilespmem:$0xC780] =	vst v63  }
0x3e: {  	_ = 	snop  }
0x3f: {  	[spmem:s4] =	stream.indirect.scatter.add.s32 [tilespmem:s8], [sflag:$0x3], $0x1, s7, s7, $0xb8;
	[tilespmem:$0xC780] =	vst v63  }
0x40: {  	s10 =	simm.s32 $0x100  }
0x41: {  	[spmem:s4] =	stream.indirect.scatter.add.s32 [tilespmem:s8], [sflag:$0x3], $0x1, s10, s7, $0xb8;
	[tilespmem:$0xC780] =	vst v63  }
0x42: {  	s11 =	simm.s32 $0x180  }
0x43: {  	[spmem:s4] =	stream.indirect.scatter.add.s32 [tilespmem:s8], [sflag:$0x3], $0x1, s11, s7, $0xb8;
	[tilespmem:$0xC780] =	vst v63  }
0x44: {  	s12 =	simm.s32 $0x200  }
0x45: {  	[spmem:s4] =	stream.indirect.scatter.add.s32 [tilespmem:s8], [sflag:$0x3], $0x1, s12, s7, $0xb8;
	[tilespmem:$0xC780] =	vst v63  }
0x46: {  	s15 =	simm.s32 $0x280  }
0x47: {  	[spmem:s4] =	stream.indirect.scatter.add.s32 [tilespmem:s8], [sflag:$0x3], $0x1, s15, s7, $0xb8;
	[tilespmem:$0xC780] =	vst v63  }
0x48: {  	s20 =	simm.s32 $0x300;
	s18 =	sadd.s32 $0x3200, s9  }
0x49: {  	[tilespmem:s20], [sflag:$0x1] =	stream.indirect.gather [hbm4b:s18+s7], $0x40, s3, s7, $0xb8;
	[tilespmem:$0xC780] =	vst v63  }
0x4a: {  	s22 =	simm.s32 $0x2300  }
0x4b: {  	[tilespmem:s22], [sflag:$0x1] =	stream.indirect.gather [hbm4b:s18+s7], $0x40, s7, s7, $0xb8;
	[tilespmem:$0xC780] =	vst v63  }
0x4c: {  	s21 =	simm.s32 $0x4300  }
0x4d: {  	[tilespmem:s21], [sflag:$0x1] =	stream.indirect.gather [hbm4b:s18+s7], $0x40, s10, s7, $0xb8;
	[tilespmem:$0xC780] =	vst v63  }
0x4e: {  	s19 =	simm.s32 $0x6300;
	s1 =	ssub.s32 $0x2, s23  }
0x4f: {  	[tilespmem:s19], [sflag:$0x1] =	stream.indirect.gather [hbm4b:s18+s7], $0x40, s11, s7, $0xb8;
	[tilespmem:$0xC780] =	vst v63  }
0x50: {  	s16 =	simm.s32 $0x8300;
	s13 =	simm.s32 $0xA300;
	s25 =	sshrl.u32 s1, $0x1  }
0x51: {  	[tilespmem:s16], [sflag:$0x1] =	stream.indirect.gather [hbm4b:s18+s7], $0x40, s12, s7, $0xb8;
	[tilespmem:$0xC780] =	vst v63  }
0x52: {  	s17 =	simm.s32 $0x1;
	s23 =	sshll.u32 s23, $0xA;
	s25 =	ssub.s32 s1, s25  }
0x53: {  	[tilespmem:s13], [sflag:$0x1] =	stream.indirect.gather [hbm4b:s18+s7], $0x40, s15, s7, $0xb8;
	[tilespmem:$0xC780] =	vst v63  }
0x54: {  	s9 =	sadd.s32 s23, s9;
	s23 =	smax.u32 s25, $0x1;
	_ =	swait.ge [sflag:s17], $0x2000  }
0x55: {  	s29 =	sadd.s32 $0x14E00, s14;
	s28 =	sadd.s32 $0x15200, s14;
	[sflag:s17] =	ssyncset.done $0x0  }
0x56: {  	s25 =	sadd.s32 $0x15A00, s14;
	s24 =	rddreg [dreg:$0x4];
	[sflag:s17] =	ssyncadd.s32 $0xFFFFE000  }
0x57: {  	[hbm4b:s24+s3] =	stream.linear.scatter [tilespmem:s20], [sflag:$0x2], $0x2000, $0x38;
	[tilespmem:$0xC780] =	vst v63  }
0x58: {  	p0 =	sne.s32 s23, $0x1;
	s30 =	sadd.s32 $0xFFFFFFFF, s23;
	_ =	swait.ge [sflag:s17], $0x2000  }
.Ltmp0:
0x59: {  	s23 =	simm.s32 $0x3;
	[sflag:s17] =	ssyncset.done $0x0;
	(pc) =	sbr.rel @!p0 .LBB2_2-.Ltmp0, $4  }
0x5a: {  	s31 =	sadd.s32 $0x44600, s9;
	s26 =	rddreg [dreg:$0x5];
	[sflag:s17] =	ssyncadd.s32 $0xFFFFE000  }
0x5b: {  	[hbm4b:s26+s3] =	stream.linear.scatter [tilespmem:s22], [sflag:$0x2], $0x2000, $0x38;
	[tilespmem:$0xC780] =	vst v63  }
0x5c: {  	s9 =	sshll.u32 s0, $0x6;
	s24 =	simm.s32 $0x2;
	_ =	swait.ge [sflag:s17], $0x2000  }
0x5d: {  	s26 =	sadd.s32 $0x15600, s14;
	s14 =	sadd.s32 s9, s31;
	[sflag:s17] =	ssyncset.done $0x0  }
.LBB2_1:
0x5e: {  	[sflag:s17] =	ssyncadd.s32 $0xFFFFE000  }
0x5f: {  	[hbm4b:s29+s3] =	stream.linear.scatter [tilespmem:s21], [sflag:$0x2], $0x2000, $0x38;
	[tilespmem:$0xC780] =	vst v63  }
0x60: {  	_ =	swait.ge [sflag:s17], $0x2000  }
0x61: {  	[sflag:s17] =	ssyncset.done $0x0  }
0x62: {  	[sflag:s17] =	ssyncadd.s32 $0xFFFFE000  }
0x63: {  	[hbm4b:s28+s3] =	stream.linear.scatter [tilespmem:s19], [sflag:$0x2], $0x2000, $0x38;
	[tilespmem:$0xC780] =	vst v63  }
0x64: {  	_ =	swait.ge [sflag:s17], $0x2000  }
0x65: {  	[sflag:s17] =	ssyncset.done $0x0  }
0x66: {  	[sflag:s17] =	ssyncadd.s32 $0xFFFFE000  }
0x67: {  	[hbm4b:s26+s3] =	stream.linear.scatter [tilespmem:s16], [sflag:$0x2], $0x2000, $0x38;
	[tilespmem:$0xC780] =	vst v63  }
0x68: {  	_ =	swait.ge [sflag:s17], $0x2000  }
0x69: {  	[sflag:s17] =	ssyncset.done $0x0  }
0x6a: {  	[sflag:s17] =	ssyncadd.s32 $0xFFFFE000  }
0x6b: {  	[hbm4b:s25+s3] =	stream.linear.scatter [tilespmem:s13], [sflag:$0x2], $0x2000, $0x38;
	[tilespmem:$0xC780] =	vst v63  }
0x6c: {  	_ =	swait.ge [sflag:s24], $0x2000  }
0x6d: {  	[sflag:s24] =	ssyncset.done $0x0  }
0x6e: {  	[sflag:s24] =	ssyncadd.s32 $0xFFFFE000  }
0x6f: {  	_ =	swait.ge [sflag:s24], $0x2000  }
0x70: {  	[sflag:s24] =	ssyncset.done $0x0  }
0x71: {  	[sflag:s24] =	ssyncadd.s32 $0xFFFFE000  }
0x72: {  	_ =	swait.ge [sflag:s24], $0x2000  }
0x73: {  	[sflag:s24] =	ssyncset.done $0x0  }
0x74: {  	[sflag:s24] =	ssyncadd.s32 $0xFFFFE000  }
0x75: {  	_ =	swait.ge [sflag:s24], $0x2000  }
0x76: {  	[sflag:s24] =	ssyncset.done $0x0  }
0x77: {  	[sflag:s24] =	ssyncadd.s32 $0xFFFFE000  }
0x78: {  	_ =	swait.ge [sflag:s24], $0x2000  }
0x79: {  	[sflag:s24] =	ssyncset.done $0x0  }
0x7a: {  	[sflag:s24] =	ssyncadd.s32 $0xFFFFE000  }
0x7b: {  	_ =	swait.ge [sflag:s24], $0x2000  }
0x7c: {  	[sflag:s24] =	ssyncset.done $0x0  }
0x7d: {  	[sflag:s24] =	ssyncadd.s32 $0xFFFFE000  }
0x7e: {  	_ =	swait.ge [sflag:s23], $0x300  }
0x7f: {  	[sflag:s23] =	ssyncset.done $0x0  }
0x80: {  	[sflag:s23] =	ssyncadd.s32 $0xFFFFFD00  }
0x81: {  	s31 =	sor.u32 $0x1C04, s9;
	s1 =	sshrl.u32 s5, $0x3;
	[bflag:$0x0] =	sbarrier.arrive $0xFFFF  }
0x82: {  	[hbm:s14], [sflag:s31] =	dma.local [spmem:s1], $0x40  }
0x83: {  	_ =	swait.ge [sflag:s2], $0x40  }
0x84: {  	[sflag:s2] =	ssyncset.done $0x0  }
0x85: {  	s31 =	rddreg [dreg:$0x3];
	[sflag:s2] =	ssyncadd.s32 $0xFFFFFFC0  }
0x86: {  	[tilespmem:s3], [sflag:$0x4] =	stream.linear.gather [hbm4b:s31+s3], $0x300, $0x38;
	[tilespmem:$0xC780] =	vst v63  }
0x87: {  	_ =	swait.ge [sflag:s2], $0x300  }
0x88: {  	[sflag:s2] =	ssyncset.done $0x0  }
0x89: {  	[sflag:s2] =	ssyncadd.s32 $0xFFFFFD00  }
0x8a: {  	[tilespmem:$0xC570] =	vst v0  }
0x8b: {  	[tilespmem:$0xC560] =	vst v0  }
0x8c: {  	[tilespmem:$0xC550] =	vst v0  }
0x8d: {  	[tilespmem:$0xC540] =	vst v0  }
0x8e: {  	[tilespmem:$0xC530] =	vst v0  }
0x8f: {  	[tilespmem:$0xC520] =	vst v0  }
0x90: {  	[tilespmem:$0xC510] =	vst v0  }
0x91: {  	[tilespmem:$0xC500] =	vst v0  }
0x92: {  	[tilespmem:$0xC4F0] =	vst v0  }
0x93: {  	[tilespmem:$0xC4E0] =	vst v0  }
0x94: {  	[tilespmem:$0xC4D0] =	vst v0  }
0x95: {  	[tilespmem:$0xC4C0] =	vst v0  }
0x96: {  	[tilespmem:$0xC4B0] =	vst v0  }
0x97: {  	[tilespmem:$0xC4A0] =	vst v0  }
0x98: {  	[tilespmem:$0xC490] =	vst v0  }
0x99: {  	[tilespmem:$0xC480] =	vst v0  }
0x9a: {  	[tilespmem:$0xC470] =	vst v0  }
0x9b: {  	[tilespmem:$0xC460] =	vst v0  }
0x9c: {  	[tilespmem:$0xC450] =	vst v0  }
0x9d: {  	[tilespmem:$0xC440] =	vst v0  }
0x9e: {  	[tilespmem:$0xC430] =	vst v0  }
0x9f: {  	[tilespmem:$0xC420] =	vst v0  }
0xa0: {  	[tilespmem:$0xC410] =	vst v0  }
0xa1: {  	[tilespmem:$0xC400] =	vst v0  }
0xa2: {  	[tilespmem:$0xC3F0] =	vst v0  }
0xa3: {  	[tilespmem:$0xC3E0] =	vst v0  }
0xa4: {  	[tilespmem:$0xC3D0] =	vst v0  }
0xa5: {  	[tilespmem:$0xC3C0] =	vst v0  }
0xa6: {  	[tilespmem:$0xC3B0] =	vst v0  }
0xa7: {  	[tilespmem:$0xC3A0] =	vst v0  }
0xa8: {  	[tilespmem:$0xC390] =	vst v0  }
0xa9: {  	[tilespmem:$0xC380] =	vst v0  }
0xaa: {  	[tilespmem:$0xC370] =	vst v1  }
0xab: {  	[tilespmem:$0xC360] =	vst v1  }
0xac: {  	[tilespmem:$0xC350] =	vst v1  }
0xad: {  	[tilespmem:$0xC340] =	vst v1  }
0xae: {  	[tilespmem:$0xC330] =	vst v1  }
0xaf: {  	[tilespmem:$0xC320] =	vst v1  }
0xb0: {  	[tilespmem:$0xC300] =	vst v1  }
0xb1: {  	[tilespmem:$0xC310] =	vst v1  }
0xb2: {  	[spmem:s5] =	stream.linear.scatter [tilespmem:s6], [sflag:$0x4], $0x200, $0x38;
	[tilespmem:$0xC780] =	vst v63  }
0xb3: {  	_ =	swait.ge [sflag:s2], $0x200  }
0xb4: {  	[sflag:s2] =	ssyncset.done $0x0  }
0xb5: {  	[sflag:s2] =	ssyncadd.s32 $0xFFFFFE00  }
0xb6: {  	[bflag:$0x0] =	sbarrier.arrive $0xFFFF  }
0xb7: {  	[spmem:s4] =	stream.indirect.scatter.add.s32 [tilespmem:s8], [sflag:$0x3], $0x1, s3, s7, $0xb8;
	[tilespmem:$0xC780] =	vst v63  }
0xb8: {  	_ = 	snop  }
0xb9: {  	[spmem:s4] =	stream.indirect.scatter.add.s32 [tilespmem:s8], [sflag:$0x3], $0x1, s7, s7, $0xb8;
	[tilespmem:$0xC780] =	vst v63  }
0xba: {  	_ = 	snop  }
0xbb: {  	[spmem:s4] =	stream.indirect.scatter.add.s32 [tilespmem:s8], [sflag:$0x3], $0x1, s10, s7, $0xb8;
	[tilespmem:$0xC780] =	vst v63  }
0xbc: {  	_ = 	snop  }
0xbd: {  	[spmem:s4] =	stream.indirect.scatter.add.s32 [tilespmem:s8], [sflag:$0x3], $0x1, s11, s7, $0xb8;
	[tilespmem:$0xC780] =	vst v63  }
0xbe: {  	_ = 	snop  }
0xbf: {  	[spmem:s4] =	stream.indirect.scatter.add.s32 [tilespmem:s8], [sflag:$0x3], $0x1, s12, s7, $0xb8;
	[tilespmem:$0xC780] =	vst v63  }
0xc0: {  	_ = 	snop  }
0xc1: {  	[spmem:s4] =	stream.indirect.scatter.add.s32 [tilespmem:s8], [sflag:$0x3], $0x1, s15, s7, $0xb8;
	[tilespmem:$0xC780] =	vst v63  }
0xc2: {  	_ = 	snop  }
0xc3: {  	[tilespmem:s20], [sflag:$0x1] =	stream.indirect.gather [hbm4b:s18+s7], $0x40, s3, s7, $0xb8;
	[tilespmem:$0xC780] =	vst v63  }
0xc4: {  	_ = 	snop  }
0xc5: {  	[tilespmem:s22], [sflag:$0x1] =	stream.indirect.gather [hbm4b:s18+s7], $0x40, s7, s7, $0xb8;
	[tilespmem:$0xC780] =	vst v63  }
0xc6: {  	_ = 	snop  }
0xc7: {  	[tilespmem:s21], [sflag:$0x1] =	stream.indirect.gather [hbm4b:s18+s7], $0x40, s10, s7, $0xb8;
	[tilespmem:$0xC780] =	vst v63  }
0xc8: {  	_ = 	snop  }
0xc9: {  	[tilespmem:s19], [sflag:$0x1] =	stream.indirect.gather [hbm4b:s18+s7], $0x40, s11, s7, $0xb8;
	[tilespmem:$0xC780] =	vst v63  }
0xca: {  	_ = 	snop  }
0xcb: {  	[tilespmem:s16], [sflag:$0x1] =	stream.indirect.gather [hbm4b:s18+s7], $0x40, s12, s7, $0xb8;
	[tilespmem:$0xC780] =	vst v63  }
0xcc: {  	_ = 	snop  }
0xcd: {  	[tilespmem:s13], [sflag:$0x1] =	stream.indirect.gather [hbm4b:s18+s7], $0x40, s15, s7, $0xb8;
	[tilespmem:$0xC780] =	vst v63  }
0xce: {  	_ =	swait.ge [sflag:s17], $0x2000  }
0xcf: {  	[sflag:s17] =	ssyncset.done $0x0  }
0xd0: {  	s31 =	rddreg [dreg:$0x4];
	[sflag:s17] =	ssyncadd.s32 $0xFFFFE000  }
0xd1: {  	[hbm4b:s31+s3] =	stream.linear.scatter [tilespmem:s20], [sflag:$0x2], $0x2000, $0x38;
	[tilespmem:$0xC780] =	vst v63  }
0xd2: {  	p0 =	sne.s32 s30, $0x1;
	_ =	swait.ge [sflag:s17], $0x2000  }
.Ltmp1:
0xd3: {  	[sflag:s17] =	ssyncset.done $0x0;
	(pc) =	sbr.rel @p0 .LBB2_1-.Ltmp1, $4  }
0xd4: {  	s31 =	rddreg [dreg:$0x5];
	[sflag:s17] =	ssyncadd.s32 $0xFFFFE000  }
0xd5: {  	[hbm4b:s31+s3] =	stream.linear.scatter [tilespmem:s22], [sflag:$0x2], $0x2000, $0x38;
	[tilespmem:$0xC780] =	vst v63  }
0xd6: {  	_ =	swait.ge [sflag:s17], $0x2000  }
0xd7: {  	s30 =	sadd.s32 $0xFFFFFFFF, s30;
	[sflag:s17] =	ssyncset.done $0x0  }
.LBB2_2:
0xd8: {  	[sflag:s17] =	ssyncadd.s32 $0xFFFFE000  }
0xd9: {  	[hbm4b:s29+s3] =	stream.linear.scatter [tilespmem:s21], [sflag:$0x2], $0x2000, $0x38;
	[tilespmem:$0xC780] =	vst v63  }
0xda: {  	_ =	swait.ge [sflag:s17], $0x2000  }
0xdb: {  	[sflag:s17] =	ssyncset.done $0x0  }
0xdc: {  	[sflag:s17] =	ssyncadd.s32 $0xFFFFE000  }
0xdd: {  	[hbm4b:s28+s3] =	stream.linear.scatter [tilespmem:s19], [sflag:$0x2], $0x2000, $0x38;
	[tilespmem:$0xC780] =	vst v63  }
0xde: {  	_ =	swait.ge [sflag:s17], $0x2000  }
0xdf: {  	[sflag:s17] =	ssyncset.done $0x0  }
0xe0: {  	[sflag:s17] =	ssyncadd.s32 $0xFFFFE000  }
0xe1: {  	[hbm4b:s26+s3] =	stream.linear.scatter [tilespmem:s16], [sflag:$0x2], $0x2000, $0x38;
	[tilespmem:$0xC780] =	vst v63  }
0xe2: {  	_ =	swait.ge [sflag:s17], $0x2000  }
0xe3: {  	[sflag:s17] =	ssyncset.done $0x0  }
0xe4: {  	[sflag:s17] =	ssyncadd.s32 $0xFFFFE000  }
0xe5: {  	[hbm4b:s25+s3] =	stream.linear.scatter [tilespmem:s13], [sflag:$0x2], $0x2000, $0x38;
	[tilespmem:$0xC780] =	vst v63  }
0xe6: {  	_ =	swait.ge [sflag:s24], $0x2000  }
0xe7: {  	[sflag:s24] =	ssyncset.done $0x0  }
0xe8: {  	[sflag:s24] =	ssyncadd.s32 $0xFFFFE000  }
0xe9: {  	_ =	swait.ge [sflag:s24], $0x2000  }
0xea: {  	[sflag:s24] =	ssyncset.done $0x0  }
0xeb: {  	[sflag:s24] =	ssyncadd.s32 $0xFFFFE000  }
0xec: {  	_ =	swait.ge [sflag:s24], $0x2000  }
0xed: {  	[sflag:s24] =	ssyncset.done $0x0  }
0xee: {  	[sflag:s24] =	ssyncadd.s32 $0xFFFFE000  }
0xef: {  	_ =	swait.ge [sflag:s24], $0x2000  }
0xf0: {  	[sflag:s24] =	ssyncset.done $0x0  }
0xf1: {  	[sflag:s24] =	ssyncadd.s32 $0xFFFFE000  }
0xf2: {  	_ =	swait.ge [sflag:s24], $0x2000  }
0xf3: {  	[sflag:s24] =	ssyncset.done $0x0  }
0xf4: {  	[sflag:s24] =	ssyncadd.s32 $0xFFFFE000  }
0xf5: {  	_ =	swait.ge [sflag:s24], $0x2000  }
0xf6: {  	[sflag:s24] =	ssyncset.done $0x0  }
0xf7: {  	[sflag:s24] =	ssyncadd.s32 $0xFFFFE000  }
0xf8: {  	_ =	swait.ge [sflag:s23], $0x300  }
0xf9: {  	[sflag:s23] =	ssyncset.done $0x0  }
0xfa: {  	[sflag:s23] =	ssyncadd.s32 $0xFFFFFD00  }
0xfb: {  	s1 =	sor.u32 $0x1C04, s9;
	s31 =	sshrl.u32 s5, $0x3;
	[bflag:$0x0] =	sbarrier.arrive $0xFFFF  }
0xfc: {  	[hbm:s14], [sflag:s1] =	dma.local [spmem:s31], $0x40  }
0xfd: {  	_ =	swait.ge [sflag:s2], $0x40  }
0xfe: {  	[sflag:s2] =	ssyncset.done $0x0  }
0xff: {  	[sflag:s2] =	ssyncadd.s32 $0xFFFFFFC0  }
0x100: {  	_ =	sfence.sel $0x180000  }
0x101: {  	[bflag:$0x0] =	sbarrier.arrive $0xFFFF  }
0x102: {  	_ =	strace $0x9000004A  }
0x103: {  	[bflag:$0x2] =	sbarrier.arrive $0xFFFF  }
0x104: {  	p0 =	sne.s32 s0, $0x0;
	s0 =	rddreg [dreg:$0x2]  }
0x105: {  	s0 =	sadd.s32 @!p0 $0x100000, s0  }
0x106: {  	[sflag:s0] =	ssyncadd.tile.s32 @!p0 $0x1;
	_ =	shalt  }
.Lfunc_end2:
_tile_overlayer_lowered:
.L_overlay_start_2:
0x107: {  	(tag) =	ssettag $0x2  }
0x108: {  	s0 =	rddreg [dreg:$0x0];
	s2 =	stileid.u32  }
0x109: {  	s1 =	rddreg [dreg:$0x1];
	p0 =	sne.s32 s2, $0x0  }
0x10a: {  	s3 =	rddreg [dreg:$0x2];
	[bflag:$0x3] =	sbarrier.arrive $0xFFFF;
	s2 =	simm.s32 @!p0 $0x1C04  }
0x10b: {  	[timem:s3], [sflag:s2] =	dma.local @!p0 [hbm:s0], s1  }
0x10c: {  	s0 =	simm.s32 @!p0 $0x4  }
0x10d: {  	_ =	swait.ge @!p0 [sflag:s0], s1  }
0x10e: {  	s1 =	ssub.s32 @!p0 $0x0, s1;
	[sflag:s0] =	ssyncset.done @!p0 $0x0  }
0x10f: {  	[sflag:s0] =	ssyncadd.s32 @!p0 s1  }
0x110: {  	[bflag:$0x3] =	sbarrier.arrive $0xFFFF  }
0x111: {  	_ =	shalt  }

</sc_bundles>
